<compile_context>
chip_gen: v7x
topology: tpu7x:2x2x1
jax: 0.10.2.dev20260603
libtpu: 0.0.44.dev20260713+nightly
codegen_flags: <defaults>
</compile_context>

<pallas_src>
import functools

import jax
import jax.numpy as jnp
from jax import lax
from jax.experimental import pallas as pl
from jax.experimental.pallas import tpu as pltpu
from jax.experimental.pallas import tpu_sc as plsc

_N = 4096
_D = 128
_K = 10
_R = 512
_SCROWS = 512
_SCBASE = _N - _SCROWS
_TCROWS = _SCBASE
_NBLK = _TCROWS // _R
_NW = 32
_WROWS = _SCROWS // _NW
_CAP = 32
_UNROLL = 8


def _scores_block(x_ref, xt_ref, sqt, base):
    x_blk = x_ref[pl.ds(base, _R), :]
    sq_blk = jnp.sum(x_blk * x_blk, axis=1, keepdims=True)
    g = jnp.dot(x_blk, xt_ref[...], preferred_element_type=jnp.float32)
    s = sq_blk + sqt - 2.0 * g
    row = base + jax.lax.broadcasted_iota(jnp.int32, (_R, _N), 0)
    col = jax.lax.broadcasted_iota(jnp.int32, (_R, _N), 1)
    return jnp.where(row == col, jnp.float32(jnp.inf), s)


def _tournament(s0):
    inf = jnp.float32(jnp.inf)
    q = _N // 8
    p = [s0[:, j * q:(j + 1) * q] for j in range(8)]

    def cex(i_, j_):
        p[i_], p[j_] = jnp.minimum(p[i_], p[j_]), jnp.maximum(p[i_], p[j_])

    for i_, j_ in ((0, 1), (2, 3), (0, 2), (1, 3), (1, 2),
                   (4, 5), (6, 7), (4, 6), (5, 7), (5, 6),
                   (0, 4), (1, 5), (2, 6), (3, 7),
                   (2, 4), (3, 5),
                   (1, 2), (3, 4), (5, 6)):
        cex(i_, j_)

    kf = jnp.float32(_K)
    r = s0.shape[0]
    cum = jnp.zeros((r, 1), jnp.float32)
    v_thr = jnp.zeros((r, 1), jnp.float32)
    cl_bk = jnp.zeros((r, 1), jnp.float32)
    run_base = jnp.zeros((r, 1), jnp.float32)
    m_prev = jnp.full((r, 1), -inf)
    for _ in range(_K):
        m = jnp.min(p[0], axis=1, keepdims=True)
        eq = p[0] == m
        cnt = jnp.sum(jnp.where(eq, 1.0, 0.0), axis=1, keepdims=True)
        for j in range(7):
            p[j] = jnp.where(eq, p[j + 1], p[j])
        p[7] = jnp.where(eq, inf, p[7])
        run_base = jnp.where(m > m_prev, cum, run_base)
        newcum = cum + cnt
        sel = (cum < kf) & (newcum >= kf)
        v_thr = jnp.where(sel, m, v_thr)
        cl_bk = jnp.where(sel, run_base, cl_bk)
        cum = newcum
        m_prev = m
    return v_thr, cl_bk


def _tc1_body(x_ref, xt_ref, a_ref, ssc_ref, vthr_ref, xw_ref, sqt_ref):
    xt = xt_ref[...]
    sqt = jnp.sum(xt * xt, axis=0, keepdims=True)
    sqt_ref[...] = sqt
    xw_ref[...] = jnp.dot(x_ref[...], a_ref[...],
                          preferred_element_type=jnp.float32)
    s0 = _scores_block(x_ref, xt_ref, sqt, _SCBASE)
    ssc_ref[...] = s0
    v_thr, _ = _tournament(s0)
    vthr_ref[...] = v_thr


def _tc1_call(x, xt, A):
    return pl.pallas_call(
        _tc1_body,
        out_shape=[
            jax.ShapeDtypeStruct((_SCROWS, _N), jnp.float32),
            jax.ShapeDtypeStruct((_SCROWS, 1), jnp.float32),
            jax.ShapeDtypeStruct((_N, _D), jnp.float32),
            jax.ShapeDtypeStruct((1, _N), jnp.float32),
        ],
    )(x, xt, A)


def _tc2_body(x_ref, xt_ref, xw_ref, sqt_ref, out_ref):
    i = pl.program_id(0)
    s0 = _scores_block(x_ref, xt_ref, sqt_ref[...], i * _R)
    v_thr, cl_bk = _tournament(s0)
    kf = jnp.float32(_K)
    lt = s0 < v_thr
    eqt = s0 == v_thr
    ce = jnp.sum(jnp.where(eqt, 1.0, 0.0), axis=1, keepdims=True)
    frac = (kf - cl_bk) / ce
    m_mask = jnp.where(lt, 1.0, jnp.where(eqt, frac, 0.0))
    out_ref[...] = jnp.dot(m_mask, xw_ref[...],
                           preferred_element_type=jnp.float32)


def _tc2_call(x, xt, xw, sqt):
    return pl.pallas_call(
        _tc2_body,
        grid=(_NBLK,),
        in_specs=[
            pl.BlockSpec((_N, _D), lambda i: (0, 0)),
            pl.BlockSpec((_D, _N), lambda i: (0, 0)),
            pl.BlockSpec((_N, _D), lambda i: (0, 0)),
            pl.BlockSpec((1, _N), lambda i: (0, 0)),
        ],
        out_specs=pl.BlockSpec((_R, _D), lambda i: (i, 0)),
        out_shape=jax.ShapeDtypeStruct((_TCROWS, _D), jnp.float32),
    )(x, xt, xw, sqt)


def _sc_body(ssc_ref, vthr_ref, xw_ref, out_ref,
             st_ref, vthr_v, candval, candcol, glist, acc, sem):
    wid = lax.axis_index("s") * 2 + lax.axis_index("c")
    base_row = wid * _WROWS
    pltpu.sync_copy(ssc_ref.at[pl.ds(wid * _N * _WROWS, _N * _WROWS)], st_ref)
    pltpu.sync_copy(vthr_ref.at[pl.ds(base_row, _WROWS)], vthr_v)
    iot = lax.iota(jnp.int32, 16)
    inf = jnp.float32(jnp.inf)
    one = jnp.ones((16,), jnp.int32)
    zero = jnp.zeros((16,), jnp.int32)

    def _init_cv(s_, c):
        candval[pl.ds(s_ * 16, 16)] = jnp.full((16,), inf, jnp.float32)
        return c

    lax.fori_loop(0, _CAP, _init_cv, 0)

    def _init_gl(s_, c):
        glist[pl.ds(s_ * 16, 16)] = _N + ((iot + s_) & 7)
        return c

    lax.fori_loop(0, 16, _init_gl, 0)

    vthr_vec = vthr_v[...]

    def _scan(cc8, cnt):
        for u in range(_UNROLL):
            cc = cc8 * _UNROLL + u
            sv = st_ref[pl.ds(cc * 16, 16)]
            msk = sv <= vthr_vec
            pos = jnp.minimum(cnt, _CAP - 1) * 16 + iot
            plsc.store_scatter(candval, [pos], sv, mask=msk)
            plsc.store_scatter(candcol, [pos], jnp.full((16,), cc, jnp.int32),
                               mask=msk)
            cnt = cnt + jnp.where(msk, one, zero)
        return cnt

    lax.fori_loop(0, _N // _UNROLL, _scan, jnp.zeros((16,), jnp.int32))

    def _nless(s_, nl):
        vals = candval[pl.ds(s_ * 16, 16)]
        return nl + jnp.where(vals < vthr_vec, one, zero)

    nless = lax.fori_loop(0, _CAP, _nless, jnp.zeros((16,), jnp.int32))
    need = _K - nless

    def _take(s_, carry):
        eqseen, gcnt = carry
        vals = candval[pl.ds(s_ * 16, 16)]
        cols = candcol[pl.ds(s_ * 16, 16)]
        ltv = vals < vthr_vec
        eqv = vals == vthr_vec
        tk = ltv | (eqv & (eqseen < need))
        gpos = jnp.minimum(gcnt * 16 + iot, 255)
        plsc.store_scatter(glist, [gpos], cols, mask=tk)
        return (eqseen + jnp.where(eqv, one, zero),
                gcnt + jnp.where(tk, one, zero))

    lax.fori_loop(0, _CAP, _take,
                  (jnp.zeros((16,), jnp.int32), jnp.zeros((16,), jnp.int32)))

    pltpu.async_copy(xw_ref.at[glist.at[pl.ds(0, 16)]], acc, sem).wait()
    descs = []
    for s_ in range(1, 16):
        descs.append(pltpu.async_copy(xw_ref.at[glist.at[pl.ds(s_ * 16, 16)]],
                                      acc, sem, add=True))
    for d_ in descs:
        d_.wait()
    pltpu.sync_copy(acc, out_ref.at[pl.ds(base_row, _WROWS), :])


def _sc_call(ssc_flat, vthr_sc, xwpad):
    mesh = plsc.VectorSubcoreMesh(core_axis_name="c", subcore_axis_name="s")
    return pl.kernel(
        _sc_body,
        out_type=jax.ShapeDtypeStruct((_SCROWS, _D), jnp.float32),
        mesh=mesh,
        scratch_types=[
            pltpu.VMEM((_N * _WROWS,), jnp.float32),
            pltpu.VMEM((_WROWS,), jnp.float32),
            pltpu.VMEM((_CAP * 16,), jnp.float32),
            pltpu.VMEM((_CAP * 16,), jnp.int32),
            pltpu.VMEM((16 * 16,), jnp.int32),
            pltpu.VMEM((16, _D), jnp.float32),
            pltpu.SemaphoreType.DMA,
        ],
        compiler_params=pltpu.CompilerParams(needs_layout_passes=False,
                                             skip_device_barrier=True),
    )(ssc_flat, vthr_sc, xwpad)


@jax.jit
def kernel(x, A):
    xt = x.T
    ssc, vthr_sc, xw, sqt = _tc1_call(x, xt, A)
    xwpad = jnp.concatenate([xw, jnp.zeros((8, _D), jnp.float32)], axis=0)
    sc_in = ssc.T.reshape(_N, _NW, _WROWS).swapaxes(0, 1).reshape(-1)
    sc_out = _sc_call(sc_in, vthr_sc.reshape(_SCROWS), xwpad)
    tc_out = _tc2_call(x, xt, xw, sqt)
    return jnp.concatenate([tc_out, sc_out], axis=0)

# --- scband reference (transcript-rebuilt; emitter-appended) ---
"""Pipeline reference for scband-lelayer-54022098649764 (READ-ONLY COPY).

The authoritative reference and input builder live on the scoring server;
editing this copy changes nothing except your own understanding.
"""

import jax, jax.numpy as jnp
import numpy as np

N = 4096
INPUT_DIM = 128
OUTPUT_DIM = 128
N_NEIGHBORS = 10


def setup_inputs(seed: int = 0) -> dict:
    key = jax.random.key(seed)
    k1, k2 = jax.random.split(key)
    x = jax.random.normal(k1, (N, INPUT_DIM), dtype=jnp.float32)
    A = jax.random.normal(k2, (INPUT_DIM, OUTPUT_DIM), dtype=jnp.float32)
    return {"x": x, "A": A}


def _cdist(x):
    # Euclidean pairwise distances, matching torch.cdist(x, x) with p=2
    sq = jnp.sum(x * x, axis=1)
    d2 = sq[:, None] + sq[None, :] - 2.0 * (x @ x.T)
    d2 = jnp.maximum(d2, 0.0)
    return jnp.sqrt(d2)


def reference(x, A):
    n = x.shape[0]
    pd = _cdist(x)
    # fill_diagonal_(Inf)
    diag = jnp.arange(n)
    pd = pd.at[diag, diag].set(jnp.inf)
    k = min(N_NEIGHBORS, n)
    # torch.topk(largest=False) -> smallest-k via top_k on negated distances
    _, indices = jax.lax.top_k(-pd, k)  # [N, k]
    xW = x @ A  # [N, OUTPUT_DIM]
    # local_weights[i] = sum over neighbors of xW[ngbrs]
    gathered = jnp.take(xW, indices, axis=0)  # [N, k, OUTPUT_DIM]
    local_weights = jnp.sum(gathered, axis=1)  # [N, OUTPUT_DIM]
    return local_weights

if __name__ == "__main__":
    import jax
    _d = setup_inputs()
    print(jax.jit(kernel)(*tuple(_d.values())))

</pallas_src>

<mosaic_0001>
#map = affine_map<(d0, d1) -> (0)>
#map1 = affine_map<(d0, d1) -> (0, 0)>
module attributes {stable_mosaic.version = 14 : i64} {
  func.func @_sc_body(%arg0: i32, %arg1: i32, %arg2: memref<2097152xf32, #tpu.memory_space<hbm>>, %arg3: memref<512xf32, #tpu.memory_space<hbm>>, %arg4: memref<4104x128xf32, #tpu.memory_space<hbm>>, %arg5: memref<512x128xf32, #tpu.memory_space<hbm>>, %arg6: memref<65536xf32, #tpu.memory_space<vmem>>, %arg7: memref<16xf32, #tpu.memory_space<vmem>>, %arg8: memref<512xf32, #tpu.memory_space<vmem>>, %arg9: memref<512xi32, #tpu.memory_space<vmem>>, %arg10: memref<256xi32, #tpu.memory_space<vmem>>, %arg11: memref<16x128xf32, #tpu.memory_space<vmem>>, %arg12: memref<!tpu.dma_semaphore, #tpu.memory_space<semaphore_mem>>) attributes {dimension_semantics = [#tpu.dimension_semantics<core_parallel>, #tpu.dimension_semantics<subcore_parallel>], iteration_bounds = array<i64: 2, 16>, scalar_prefetch = 0 : i64, scratch_operands = 7 : i64, tpu.core_type = #tpu.core_type<sc_vector_subcore>, window_params = [{transform_indices = #map}, {transform_indices = #map}, {transform_indices = #map1}, {transform_indices = #map1}]} {
    %mul3A = arith.constant 2 : i32
    %mul3A_0 = arith.muli %arg1, %mul3A : i32
    %add3A = arith.addi %mul3A_0, %arg0 : i32
    %mul3A_1 = arith.constant 16 : i32
    %mul3A_2 = arith.muli %add3A, %mul3A_1 : i32
    %mul3A_3 = arith.constant 4096 : i32
    %mul3A_4 = arith.muli %add3A, %mul3A_3 : i32
    %mul3A_5 = arith.constant 16 : i32
    %mul3A_6 = arith.muli %mul3A_4, %mul3A_5 : i32
    "tpu.region"() ({
      %run_scoped3A = tpu.sem_alloc : memref<!tpu.dma_semaphore, #tpu.memory_space<semaphore_mem>>
      %dma_start3A_209 = tpu.memref_slice %arg2[%mul3A_6] : memref<2097152xf32, #tpu.memory_space<hbm>> -> memref<65536xf32, #tpu.memory_space<hbm>>
      %dma_start3A_210 = tpu.memref_slice %arg2[%mul3A_6] : memref<2097152xf32, #tpu.memory_space<hbm>> -> memref<65536xf32, #tpu.memory_space<hbm>>
      tpu.enqueue_dma source(%dma_start3A_210 : memref<65536xf32, #tpu.memory_space<hbm>>) target(%arg6 : memref<65536xf32, #tpu.memory_space<vmem>>) target_semaphore(%run_scoped3A : memref<!tpu.dma_semaphore, #tpu.memory_space<semaphore_mem>>)
      %dma_wait3A_211 = tpu.memref_slice %arg2[%mul3A_6] : memref<2097152xf32, #tpu.memory_space<hbm>> -> memref<65536xf32, #tpu.memory_space<hbm>>
      %dma_wait3A_212 = tpu.memref_slice %arg2[%mul3A_6] : memref<2097152xf32, #tpu.memory_space<hbm>> -> memref<65536xf32, #tpu.memory_space<hbm>>
      tpu.wait_dma2 semaphore(%run_scoped3A : memref<!tpu.dma_semaphore, #tpu.memory_space<semaphore_mem>>) src(%dma_wait3A_212 : memref<65536xf32, #tpu.memory_space<hbm>>) dst(%arg6 : memref<65536xf32, #tpu.memory_space<vmem>>)
      tpu.yield
    }) : () -> ()
    "tpu.region"() ({
      %run_scoped3A = tpu.sem_alloc : memref<!tpu.dma_semaphore, #tpu.memory_space<semaphore_mem>>
      %dma_start3A_209 = tpu.memref_slice %arg3[%mul3A_2] : memref<512xf32, #tpu.memory_space<hbm>> -> memref<16xf32, #tpu.memory_space<hbm>>
      %dma_start3A_210 = tpu.memref_slice %arg3[%mul3A_2] : memref<512xf32, #tpu.memory_space<hbm>> -> memref<16xf32, #tpu.memory_space<hbm>>
      tpu.enqueue_dma source(%dma_start3A_210 : memref<16xf32, #tpu.memory_space<hbm>>) target(%arg7 : memref<16xf32, #tpu.memory_space<vmem>>) target_semaphore(%run_scoped3A : memref<!tpu.dma_semaphore, #tpu.memory_space<semaphore_mem>>)
      %dma_wait3A_211 = tpu.memref_slice %arg3[%mul3A_2] : memref<512xf32, #tpu.memory_space<hbm>> -> memref<16xf32, #tpu.memory_space<hbm>>
      %dma_wait3A_212 = tpu.memref_slice %arg3[%mul3A_2] : memref<512xf32, #tpu.memory_space<hbm>> -> memref<16xf32, #tpu.memory_space<hbm>>
      tpu.wait_dma2 semaphore(%run_scoped3A : memref<!tpu.dma_semaphore, #tpu.memory_space<semaphore_mem>>) src(%dma_wait3A_212 : memref<16xf32, #tpu.memory_space<hbm>>) dst(%arg7 : memref<16xf32, #tpu.memory_space<vmem>>)
      tpu.yield
    }) : () -> ()
    %iota3A = tpu.iota {dimensions = array<i32: 0>} : vector<16xi32>
    %broadcast_in_dim3A = arith.constant 1 : i32
    %broadcast_in_dim3A_7 = vector.broadcast %broadcast_in_dim3A : i32 to vector<16xi32>
    %broadcast_in_dim3A_8 = arith.constant 0 : i32
    %broadcast_in_dim3A_9 = vector.broadcast %broadcast_in_dim3A_8 : i32 to vector<16xi32>
    %scan3A = arith.constant 0 : i32
    %scan3A_10 = arith.constant 0x7F800000 : f32
    %scan3A_11 = arith.constant 0 : i32
    %scan3A_12 = arith.constant 32 : i32
    %scan3A_13 = arith.addi %scan3A_11, %scan3A_12 : i32
    %scan3A_14 = arith.constant 1 : i32
    scf.for %scan3A_209 = %scan3A_11 to %scan3A_13 step %scan3A_14  : i32 {
      %broadcast_in_dim3A_210 = vector.broadcast %scan3A_10 : f32 to vector<16xf32>
      %mul3A_211 = arith.constant 16 : i32
      %mul3A_212 = arith.muli %scan3A_209, %mul3A_211 : i32
      %swap3A = arith.index_cast %mul3A_212 : i32 to index
      %swap3A_213 = tpu.vector_load %arg8[%swap3A] {strides = array<i32>} : memref<512xf32, #tpu.memory_space<vmem>>, vector<16xf32>,
      tpu.vector_store %arg8[%swap3A], %broadcast_in_dim3A_210 {strides = array<i32>} : memref<512xf32, #tpu.memory_space<vmem>>, vector<16xf32>,
    }
    %scan3A_15 = arith.constant 32 : i32
    %scan3A_16 = arith.constant 0 : i32
    %scan3A_17 = arith.constant 0 : i32
    %scan3A_18 = arith.constant 16 : i32
    %scan3A_19 = arith.addi %scan3A_17, %scan3A_18 : i32
    %scan3A_20 = arith.constant 1 : i32
    scf.for %scan3A_209 = %scan3A_17 to %scan3A_19 step %scan3A_20  : i32 {
      %add3A_210 = vector.broadcast %scan3A_209 : i32 to vector<16xi32>
      %add3A_211 = arith.addi %iota3A, %add3A_210 : vector<16xi32>
      %and3A = arith.constant 7 : i32
      %and3A_212 = vector.broadcast %and3A : i32 to vector<16xi32>
      %and3A_213 = arith.andi %add3A_211, %and3A_212 : vector<16xi32>
      %add3A_214 = arith.constant 4096 : i32
      %add3A_215 = vector.broadcast %add3A_214 : i32 to vector<16xi32>
      %add3A_216 = arith.addi %add3A_215, %and3A_213 : vector<16xi32>
      %mul3A_217 = arith.constant 16 : i32
      %mul3A_218 = arith.muli %scan3A_209, %mul3A_217 : i32
      %swap3A = arith.index_cast %mul3A_218 : i32 to index
      %swap3A_219 = tpu.vector_load %arg10[%swap3A] {strides = array<i32>} : memref<256xi32, #tpu.memory_space<vmem>>, vector<16xi32>,
      tpu.vector_store %arg10[%swap3A], %add3A_216 {strides = array<i32>} : memref<256xi32, #tpu.memory_space<vmem>>, vector<16xi32>,
    }
    %scan3A_21 = arith.constant 16 : i32
    %get3A = arith.constant 0 : index
    %get3A_22 = tpu.vector_load %arg7[%get3A] {strides = array<i32>} : memref<16xf32, #tpu.memory_space<vmem>>, vector<16xf32>,
    %broadcast_in_dim3A_23 = arith.constant 0 : i32
    %broadcast_in_dim3A_24 = vector.broadcast %broadcast_in_dim3A_23 : i32 to vector<16xi32>
    %scan3A_25 = arith.constant 0 : i32
    %scan3A_26 = arith.constant 512 : i32
    %scan3A_27 = arith.addi %scan3A_25, %scan3A_26 : i32
    %scan3A_28 = arith.constant 1 : i32
    %scan3A_29 = scf.for %scan3A_209 = %scan3A_25 to %scan3A_27 step %scan3A_28 iter_args(%scan3A_210 = %broadcast_in_dim3A_24) -> (vector<16xi32>)  : i32 {
      %mul3A_211 = arith.constant 8 : i32
      %mul3A_212 = arith.muli %scan3A_209, %mul3A_211 : i32
      %add3A_213 = arith.constant 0 : i32
      %add3A_214 = arith.addi %mul3A_212, %add3A_213 : i32
      %mul3A_215 = arith.constant 16 : i32
      %mul3A_216 = arith.muli %add3A_214, %mul3A_215 : i32
      %get3A_217 = arith.index_cast %mul3A_216 : i32 to index
      %get3A_218 = tpu.vector_load %arg6[%get3A_217] {strides = array<i32>} : memref<65536xf32, #tpu.memory_space<vmem>>, vector<16xf32>,
      %le3A = arith.cmpf ole, %get3A_218, %get3A_22 : vector<16xf32>
      %min3A = arith.constant 31 : i32
      %min3A_219 = vector.broadcast %min3A : i32 to vector<16xi32>
      %min3A_220 = arith.minsi %scan3A_210, %min3A_219 : vector<16xi32>
      %mul3A_221 = arith.constant 16 : i32
      %mul3A_222 = vector.broadcast %mul3A_221 : i32 to vector<16xi32>
      %mul3A_223 = arith.muli %min3A_220, %mul3A_222 : vector<16xi32>
      %add3A_224 = arith.addi %mul3A_223, %iota3A : vector<16xi32>
      tpu.vector_store_idx %arg8[%add3A_224], %get3A_218 masked %le3A : memref<512xf32, #tpu.memory_space<vmem>>[vector<16xi32>], vector<16xf32>, vector<16xi1>
      %broadcast_in_dim3A_225 = vector.broadcast %add3A_214 : i32 to vector<16xi32>
      tpu.vector_store_idx %arg9[%add3A_224], %broadcast_in_dim3A_225 masked %le3A : memref<512xi32, #tpu.memory_space<vmem>>[vector<16xi32>], vector<16xi32>, vector<16xi1>
      %select_n3A = arith.select %le3A, %broadcast_in_dim3A_7, %broadcast_in_dim3A_9 : vector<16xi1>, vector<16xi32>
      %add3A_226 = arith.addi %scan3A_210, %select_n3A : vector<16xi32>
      %mul3A_227 = arith.constant 8 : i32
      %mul3A_228 = arith.muli %scan3A_209, %mul3A_227 : i32
      %add3A_229 = arith.constant 1 : i32
      %add3A_230 = arith.addi %mul3A_228, %add3A_229 : i32
      %mul3A_231 = arith.constant 16 : i32
      %mul3A_232 = arith.muli %add3A_230, %mul3A_231 : i32
      %get3A_233 = arith.index_cast %mul3A_232 : i32 to index
      %get3A_234 = tpu.vector_load %arg6[%get3A_233] {strides = array<i32>} : memref<65536xf32, #tpu.memory_space<vmem>>, vector<16xf32>,
      %le3A_235 = arith.cmpf ole, %get3A_234, %get3A_22 : vector<16xf32>
      %min3A_236 = arith.constant 31 : i32
      %min3A_237 = vector.broadcast %min3A_236 : i32 to vector<16xi32>
      %min3A_238 = arith.minsi %add3A_226, %min3A_237 : vector<16xi32>
      %mul3A_239 = arith.constant 16 : i32
      %mul3A_240 = vector.broadcast %mul3A_239 : i32 to vector<16xi32>
      %mul3A_241 = arith.muli %min3A_238, %mul3A_240 : vector<16xi32>
      %add3A_242 = arith.addi %mul3A_241, %iota3A : vector<16xi32>
      tpu.vector_store_idx %arg8[%add3A_242], %get3A_234 masked %le3A_235 : memref<512xf32, #tpu.memory_space<vmem>>[vector<16xi32>], vector<16xf32>, vector<16xi1>
      %broadcast_in_dim3A_243 = vector.broadcast %add3A_230 : i32 to vector<16xi32>
      tpu.vector_store_idx %arg9[%add3A_242], %broadcast_in_dim3A_243 masked %le3A_235 : memref<512xi32, #tpu.memory_space<vmem>>[vector<16xi32>], vector<16xi32>, vector<16xi1>
      %select_n3A_244 = arith.select %le3A_235, %broadcast_in_dim3A_7, %broadcast_in_dim3A_9 : vector<16xi1>, vector<16xi32>
      %add3A_245 = arith.addi %add3A_226, %select_n3A_244 : vector<16xi32>
      %mul3A_246 = arith.constant 8 : i32
      %mul3A_247 = arith.muli %scan3A_209, %mul3A_246 : i32
      %add3A_248 = arith.constant 2 : i32
      %add3A_249 = arith.addi %mul3A_247, %add3A_248 : i32
      %mul3A_250 = arith.constant 16 : i32
      %mul3A_251 = arith.muli %add3A_249, %mul3A_250 : i32
      %get3A_252 = arith.index_cast %mul3A_251 : i32 to index
      %get3A_253 = tpu.vector_load %arg6[%get3A_252] {strides = array<i32>} : memref<65536xf32, #tpu.memory_space<vmem>>, vector<16xf32>,
      %le3A_254 = arith.cmpf ole, %get3A_253, %get3A_22 : vector<16xf32>
      %min3A_255 = arith.constant 31 : i32
      %min3A_256 = vector.broadcast %min3A_255 : i32 to vector<16xi32>
      %min3A_257 = arith.minsi %add3A_245, %min3A_256 : vector<16xi32>
      %mul3A_258 = arith.constant 16 : i32
      %mul3A_259 = vector.broadcast %mul3A_258 : i32 to vector<16xi32>
      %mul3A_260 = arith.muli %min3A_257, %mul3A_259 : vector<16xi32>
      %add3A_261 = arith.addi %mul3A_260, %iota3A : vector<16xi32>
      tpu.vector_store_idx %arg8[%add3A_261], %get3A_253 masked %le3A_254 : memref<512xf32, #tpu.memory_space<vmem>>[vector<16xi32>], vector<16xf32>, vector<16xi1>
      %broadcast_in_dim3A_262 = vector.broadcast %add3A_249 : i32 to vector<16xi32>
      tpu.vector_store_idx %arg9[%add3A_261], %broadcast_in_dim3A_262 masked %le3A_254 : memref<512xi32, #tpu.memory_space<vmem>>[vector<16xi32>], vector<16xi32>, vector<16xi1>
      %select_n3A_263 = arith.select %le3A_254, %broadcast_in_dim3A_7, %broadcast_in_dim3A_9 : vector<16xi1>, vector<16xi32>
      %add3A_264 = arith.addi %add3A_245, %select_n3A_263 : vector<16xi32>
      %mul3A_265 = arith.constant 8 : i32
      %mul3A_266 = arith.muli %scan3A_209, %mul3A_265 : i32
      %add3A_267 = arith.constant 3 : i32
      %add3A_268 = arith.addi %mul3A_266, %add3A_267 : i32
      %mul3A_269 = arith.constant 16 : i32
      %mul3A_270 = arith.muli %add3A_268, %mul3A_269 : i32
      %get3A_271 = arith.index_cast %mul3A_270 : i32 to index
      %get3A_272 = tpu.vector_load %arg6[%get3A_271] {strides = array<i32>} : memref<65536xf32, #tpu.memory_space<vmem>>, vector<16xf32>,
      %le3A_273 = arith.cmpf ole, %get3A_272, %get3A_22 : vector<16xf32>
      %min3A_274 = arith.constant 31 : i32
      %min3A_275 = vector.broadcast %min3A_274 : i32 to vector<16xi32>
      %min3A_276 = arith.minsi %add3A_264, %min3A_275 : vector<16xi32>
      %mul3A_277 = arith.constant 16 : i32
      %mul3A_278 = vector.broadcast %mul3A_277 : i32 to vector<16xi32>
      %mul3A_279 = arith.muli %min3A_276, %mul3A_278 : vector<16xi32>
      %add3A_280 = arith.addi %mul3A_279, %iota3A : vector<16xi32>
      tpu.vector_store_idx %arg8[%add3A_280], %get3A_272 masked %le3A_273 : memref<512xf32, #tpu.memory_space<vmem>>[vector<16xi32>], vector<16xf32>, vector<16xi1>
      %broadcast_in_dim3A_281 = vector.broadcast %add3A_268 : i32 to vector<16xi32>
      tpu.vector_store_idx %arg9[%add3A_280], %broadcast_in_dim3A_281 masked %le3A_273 : memref<512xi32, #tpu.memory_space<vmem>>[vector<16xi32>], vector<16xi32>, vector<16xi1>
      %select_n3A_282 = arith.select %le3A_273, %broadcast_in_dim3A_7, %broadcast_in_dim3A_9 : vector<16xi1>, vector<16xi32>
      %add3A_283 = arith.addi %add3A_264, %select_n3A_282 : vector<16xi32>
      %mul3A_284 = arith.constant 8 : i32
      %mul3A_285 = arith.muli %scan3A_209, %mul3A_284 : i32
      %add3A_286 = arith.constant 4 : i32
      %add3A_287 = arith.addi %mul3A_285, %add3A_286 : i32
      %mul3A_288 = arith.constant 16 : i32
      %mul3A_289 = arith.muli %add3A_287, %mul3A_288 : i32
      %get3A_290 = arith.index_cast %mul3A_289 : i32 to index
      %get3A_291 = tpu.vector_load %arg6[%get3A_290] {strides = array<i32>} : memref<65536xf32, #tpu.memory_space<vmem>>, vector<16xf32>,
      %le3A_292 = arith.cmpf ole, %get3A_291, %get3A_22 : vector<16xf32>
      %min3A_293 = arith.constant 31 : i32
      %min3A_294 = vector.broadcast %min3A_293 : i32 to vector<16xi32>
      %min3A_295 = arith.minsi %add3A_283, %min3A_294 : vector<16xi32>
      %mul3A_296 = arith.constant 16 : i32
      %mul3A_297 = vector.broadcast %mul3A_296 : i32 to vector<16xi32>
      %mul3A_298 = arith.muli %min3A_295, %mul3A_297 : vector<16xi32>
      %add3A_299 = arith.addi %mul3A_298, %iota3A : vector<16xi32>
      tpu.vector_store_idx %arg8[%add3A_299], %get3A_291 masked %le3A_292 : memref<512xf32, #tpu.memory_space<vmem>>[vector<16xi32>], vector<16xf32>, vector<16xi1>
      %broadcast_in_dim3A_300 = vector.broadcast %add3A_287 : i32 to vector<16xi32>
      tpu.vector_store_idx %arg9[%add3A_299], %broadcast_in_dim3A_300 masked %le3A_292 : memref<512xi32, #tpu.memory_space<vmem>>[vector<16xi32>], vector<16xi32>, vector<16xi1>
      %select_n3A_301 = arith.select %le3A_292, %broadcast_in_dim3A_7, %broadcast_in_dim3A_9 : vector<16xi1>, vector<16xi32>
      %add3A_302 = arith.addi %add3A_283, %select_n3A_301 : vector<16xi32>
      %mul3A_303 = arith.constant 8 : i32
      %mul3A_304 = arith.muli %scan3A_209, %mul3A_303 : i32
      %add3A_305 = arith.constant 5 : i32
      %add3A_306 = arith.addi %mul3A_304, %add3A_305 : i32
      %mul3A_307 = arith.constant 16 : i32
      %mul3A_308 = arith.muli %add3A_306, %mul3A_307 : i32
      %get3A_309 = arith.index_cast %mul3A_308 : i32 to index
      %get3A_310 = tpu.vector_load %arg6[%get3A_309] {strides = array<i32>} : memref<65536xf32, #tpu.memory_space<vmem>>, vector<16xf32>,
      %le3A_311 = arith.cmpf ole, %get3A_310, %get3A_22 : vector<16xf32>
      %min3A_312 = arith.constant 31 : i32
      %min3A_313 = vector.broadcast %min3A_312 : i32 to vector<16xi32>
      %min3A_314 = arith.minsi %add3A_302, %min3A_313 : vector<16xi32>
      %mul3A_315 = arith.constant 16 : i32
      %mul3A_316 = vector.broadcast %mul3A_315 : i32 to vector<16xi32>
      %mul3A_317 = arith.muli %min3A_314, %mul3A_316 : vector<16xi32>
      %add3A_318 = arith.addi %mul3A_317, %iota3A : vector<16xi32>
      tpu.vector_store_idx %arg8[%add3A_318], %get3A_310 masked %le3A_311 : memref<512xf32, #tpu.memory_space<vmem>>[vector<16xi32>], vector<16xf32>, vector<16xi1>
      %broadcast_in_dim3A_319 = vector.broadcast %add3A_306 : i32 to vector<16xi32>
      tpu.vector_store_idx %arg9[%add3A_318], %broadcast_in_dim3A_319 masked %le3A_311 : memref<512xi32, #tpu.memory_space<vmem>>[vector<16xi32>], vector<16xi32>, vector<16xi1>
      %select_n3A_320 = arith.select %le3A_311, %broadcast_in_dim3A_7, %broadcast_in_dim3A_9 : vector<16xi1>, vector<16xi32>
      %add3A_321 = arith.addi %add3A_302, %select_n3A_320 : vector<16xi32>
      %mul3A_322 = arith.constant 8 : i32
      %mul3A_323 = arith.muli %scan3A_209, %mul3A_322 : i32
      %add3A_324 = arith.constant 6 : i32
      %add3A_325 = arith.addi %mul3A_323, %add3A_324 : i32
      %mul3A_326 = arith.constant 16 : i32
      %mul3A_327 = arith.muli %add3A_325, %mul3A_326 : i32
      %get3A_328 = arith.index_cast %mul3A_327 : i32 to index
      %get3A_329 = tpu.vector_load %arg6[%get3A_328] {strides = array<i32>} : memref<65536xf32, #tpu.memory_space<vmem>>, vector<16xf32>,
      %le3A_330 = arith.cmpf ole, %get3A_329, %get3A_22 : vector<16xf32>
      %min3A_331 = arith.constant 31 : i32
      %min3A_332 = vector.broadcast %min3A_331 : i32 to vector<16xi32>
      %min3A_333 = arith.minsi %add3A_321, %min3A_332 : vector<16xi32>
      %mul3A_334 = arith.constant 16 : i32
      %mul3A_335 = vector.broadcast %mul3A_334 : i32 to vector<16xi32>
      %mul3A_336 = arith.muli %min3A_333, %mul3A_335 : vector<16xi32>
      %add3A_337 = arith.addi %mul3A_336, %iota3A : vector<16xi32>
      tpu.vector_store_idx %arg8[%add3A_337], %get3A_329 masked %le3A_330 : memref<512xf32, #tpu.memory_space<vmem>>[vector<16xi32>], vector<16xf32>, vector<16xi1>
      %broadcast_in_dim3A_338 = vector.broadcast %add3A_325 : i32 to vector<16xi32>
      tpu.vector_store_idx %arg9[%add3A_337], %broadcast_in_dim3A_338 masked %le3A_330 : memref<512xi32, #tpu.memory_space<vmem>>[vector<16xi32>], vector<16xi32>, vector<16xi1>
      %select_n3A_339 = arith.select %le3A_330, %broadcast_in_dim3A_7, %broadcast_in_dim3A_9 : vector<16xi1>, vector<16xi32>
      %add3A_340 = arith.addi %add3A_321, %select_n3A_339 : vector<16xi32>
      %mul3A_341 = arith.constant 8 : i32
      %mul3A_342 = arith.muli %scan3A_209, %mul3A_341 : i32
      %add3A_343 = arith.constant 7 : i32
      %add3A_344 = arith.addi %mul3A_342, %add3A_343 : i32
      %mul3A_345 = arith.constant 16 : i32
      %mul3A_346 = arith.muli %add3A_344, %mul3A_345 : i32
      %get3A_347 = arith.index_cast %mul3A_346 : i32 to index
      %get3A_348 = tpu.vector_load %arg6[%get3A_347] {strides = array<i32>} : memref<65536xf32, #tpu.memory_space<vmem>>, vector<16xf32>,
      %le3A_349 = arith.cmpf ole, %get3A_348, %get3A_22 : vector<16xf32>
      %min3A_350 = arith.constant 31 : i32
      %min3A_351 = vector.broadcast %min3A_350 : i32 to vector<16xi32>
      %min3A_352 = arith.minsi %add3A_340, %min3A_351 : vector<16xi32>
      %mul3A_353 = arith.constant 16 : i32
      %mul3A_354 = vector.broadcast %mul3A_353 : i32 to vector<16xi32>
      %mul3A_355 = arith.muli %min3A_352, %mul3A_354 : vector<16xi32>
      %add3A_356 = arith.addi %mul3A_355, %iota3A : vector<16xi32>
      tpu.vector_store_idx %arg8[%add3A_356], %get3A_348 masked %le3A_349 : memref<512xf32, #tpu.memory_space<vmem>>[vector<16xi32>], vector<16xf32>, vector<16xi1>
      %broadcast_in_dim3A_357 = vector.broadcast %add3A_344 : i32 to vector<16xi32>
      tpu.vector_store_idx %arg9[%add3A_356], %broadcast_in_dim3A_357 masked %le3A_349 : memref<512xi32, #tpu.memory_space<vmem>>[vector<16xi32>], vector<16xi32>, vector<16xi1>
      %select_n3A_358 = arith.select %le3A_349, %broadcast_in_dim3A_7, %broadcast_in_dim3A_9 : vector<16xi1>, vector<16xi32>
      %add3A_359 = arith.addi %add3A_340, %select_n3A_358 : vector<16xi32>
      scf.yield %add3A_359 : vector<16xi32>
    }
    %scan3A_30 = arith.constant 512 : i32
    %broadcast_in_dim3A_31 = arith.constant 0 : i32
    %broadcast_in_dim3A_32 = vector.broadcast %broadcast_in_dim3A_31 : i32 to vector<16xi32>
    %scan3A_33 = arith.constant 0 : i32
    %scan3A_34 = arith.constant 32 : i32
    %scan3A_35 = arith.addi %scan3A_33, %scan3A_34 : i32
    %scan3A_36 = arith.constant 1 : i32
    %scan3A_37 = scf.for %scan3A_209 = %scan3A_33 to %scan3A_35 step %scan3A_36 iter_args(%scan3A_210 = %broadcast_in_dim3A_32) -> (vector<16xi32>)  : i32 {
      %mul3A_211 = arith.constant 16 : i32
      %mul3A_212 = arith.muli %scan3A_209, %mul3A_211 : i32
      %get3A_213 = arith.index_cast %mul3A_212 : i32 to index
      %get3A_214 = tpu.vector_load %arg8[%get3A_213] {strides = array<i32>} : memref<512xf32, #tpu.memory_space<vmem>>, vector<16xf32>,
      %lt3A = arith.cmpf olt, %get3A_214, %get3A_22 : vector<16xf32>
      %select_n3A = arith.select %lt3A, %broadcast_in_dim3A_7, %broadcast_in_dim3A_9 : vector<16xi1>, vector<16xi32>
      %add3A_215 = arith.addi %scan3A_210, %select_n3A : vector<16xi32>
      scf.yield %add3A_215 : vector<16xi32>
    }
    %scan3A_38 = arith.constant 32 : i32
    %sub3A = arith.constant 10 : i32
    %sub3A_39 = vector.broadcast %sub3A : i32 to vector<16xi32>
    %sub3A_40 = arith.subi %sub3A_39, %scan3A_37 : vector<16xi32>
    %broadcast_in_dim3A_41 = arith.constant 0 : i32
    %broadcast_in_dim3A_42 = vector.broadcast %broadcast_in_dim3A_41 : i32 to vector<16xi32>
    %broadcast_in_dim3A_43 = arith.constant 0 : i32
    %broadcast_in_dim3A_44 = vector.broadcast %broadcast_in_dim3A_43 : i32 to vector<16xi32>
    %scan3A_45 = arith.constant 0 : i32
    %scan3A_46 = arith.constant 32 : i32
    %scan3A_47 = arith.addi %scan3A_45, %scan3A_46 : i32
    %scan3A_48 = arith.constant 1 : i32
    %scan3A_49:2 = scf.for %scan3A_209 = %scan3A_45 to %scan3A_47 step %scan3A_48 iter_args(%scan3A_210 = %broadcast_in_dim3A_42, %scan3A_211 = %broadcast_in_dim3A_44) -> (vector<16xi32>, vector<16xi32>)  : i32 {
      %mul3A_212 = arith.constant 16 : i32
      %mul3A_213 = arith.muli %scan3A_209, %mul3A_212 : i32
      %get3A_214 = arith.index_cast %mul3A_213 : i32 to index
      %get3A_215 = tpu.vector_load %arg8[%get3A_214] {strides = array<i32>} : memref<512xf32, #tpu.memory_space<vmem>>, vector<16xf32>,
      %mul3A_216 = arith.constant 16 : i32
      %mul3A_217 = arith.muli %scan3A_209, %mul3A_216 : i32
      %get3A_218 = arith.index_cast %mul3A_217 : i32 to index
      %get3A_219 = tpu.vector_load %arg9[%get3A_218] {strides = array<i32>} : memref<512xi32, #tpu.memory_space<vmem>>, vector<16xi32>,
      %lt3A = arith.cmpf olt, %get3A_215, %get3A_22 : vector<16xf32>
      %eq3A = arith.cmpf oeq, %get3A_215, %get3A_22 : vector<16xf32>
      %lt3A_220 = arith.cmpi slt, %scan3A_210, %sub3A_40 : vector<16xi32>
      %and3A = arith.andi %eq3A, %lt3A_220 : vector<16xi1>
      %or3A = arith.ori %lt3A, %and3A : vector<16xi1>
      %mul3A_221 = arith.constant 16 : i32
      %mul3A_222 = vector.broadcast %mul3A_221 : i32 to vector<16xi32>
      %mul3A_223 = arith.muli %scan3A_211, %mul3A_222 : vector<16xi32>
      %add3A_224 = arith.addi %mul3A_223, %iota3A : vector<16xi32>
      %min3A = arith.constant 255 : i32
      %min3A_225 = vector.broadcast %min3A : i32 to vector<16xi32>
      %min3A_226 = arith.minsi %add3A_224, %min3A_225 : vector<16xi32>
      tpu.vector_store_idx %arg10[%min3A_226], %get3A_219 masked %or3A : memref<256xi32, #tpu.memory_space<vmem>>[vector<16xi32>], vector<16xi32>, vector<16xi1>
      %select_n3A = arith.select %eq3A, %broadcast_in_dim3A_7, %broadcast_in_dim3A_9 : vector<16xi1>, vector<16xi32>
      %add3A_227 = arith.addi %scan3A_210, %select_n3A : vector<16xi32>
      %select_n3A_228 = arith.select %or3A, %broadcast_in_dim3A_7, %broadcast_in_dim3A_9 : vector<16xi1>, vector<16xi32>
      %add3A_229 = arith.addi %scan3A_211, %select_n3A_228 : vector<16xi32>
      scf.yield %add3A_227, %add3A_229 : vector<16xi32>, vector<16xi32>
    }
    %scan3A_50 = arith.constant 32 : i32
    %dma_start3A = arith.constant 0 : i32
    %dma_start3A_51 = tpu.memref_slice %arg10[%dma_start3A] : memref<256xi32, #tpu.memory_space<vmem>> -> memref<16xi32, #tpu.memory_space<vmem>>
    %dma_start3A_52 = arith.constant 0 : i32
    %dma_start3A_53 = arith.constant 0 : i32
    %dma_start3A_54 = tpu.memref_slice %arg4[%dma_start3A_52, %dma_start3A_53] : memref<4104x128xf32, #tpu.memory_space<hbm>> -> memref<4104x128xf32, #tpu.memory_space<hbm>>
    tpu.enqueue_indirect_dma source(%dma_start3A_54 : memref<4104x128xf32, #tpu.memory_space<hbm>>) target(%arg11 : memref<16x128xf32, #tpu.memory_space<vmem>>) offsets(%dma_start3A_51 : memref<16xi32, #tpu.memory_space<vmem>>) semaphore(%arg12 : memref<!tpu.dma_semaphore, #tpu.memory_space<semaphore_mem>>)
    %dma_wait3A = arith.constant 0 : i32
    %dma_wait3A_55 = tpu.memref_slice %arg10[%dma_wait3A] : memref<256xi32, #tpu.memory_space<vmem>> -> memref<16xi32, #tpu.memory_space<vmem>>
    %dma_wait3A_56 = arith.constant 0 : i32
    %dma_wait3A_57 = arith.constant 0 : i32
    %dma_wait3A_58 = tpu.memref_slice %arg4[%dma_wait3A_56, %dma_wait3A_57] : memref<4104x128xf32, #tpu.memory_space<hbm>> -> memref<4104x128xf32, #tpu.memory_space<hbm>>
    tpu.wait_indirect_dma semaphore(%arg12 : memref<!tpu.dma_semaphore, #tpu.memory_space<semaphore_mem>>) src(%dma_wait3A_58 : memref<4104x128xf32, #tpu.memory_space<hbm>>) dst(%arg11 : memref<16x128xf32, #tpu.memory_space<vmem>>)
    %dma_start3A_59 = arith.constant 16 : i32
    %dma_start3A_60 = tpu.memref_slice %arg10[%dma_start3A_59] : memref<256xi32, #tpu.memory_space<vmem>> -> memref<16xi32, #tpu.memory_space<vmem>>
    %dma_start3A_61 = arith.constant 0 : i32
    %dma_start3A_62 = arith.constant 0 : i32
    %dma_start3A_63 = tpu.memref_slice %arg4[%dma_start3A_61, %dma_start3A_62] : memref<4104x128xf32, #tpu.memory_space<hbm>> -> memref<4104x128xf32, #tpu.memory_space<hbm>>
    tpu.enqueue_indirect_dma source(%dma_start3A_63 : memref<4104x128xf32, #tpu.memory_space<hbm>>) target(%arg11 : memref<16x128xf32, #tpu.memory_space<vmem>>) offsets(%dma_start3A_60 : memref<16xi32, #tpu.memory_space<vmem>>) semaphore(%arg12 : memref<!tpu.dma_semaphore, #tpu.memory_space<semaphore_mem>>) {add = true}
    %dma_start3A_64 = arith.constant 32 : i32
    %dma_start3A_65 = tpu.memref_slice %arg10[%dma_start3A_64] : memref<256xi32, #tpu.memory_space<vmem>> -> memref<16xi32, #tpu.memory_space<vmem>>
    %dma_start3A_66 = arith.constant 0 : i32
    %dma_start3A_67 = arith.constant 0 : i32
    %dma_start3A_68 = tpu.memref_slice %arg4[%dma_start3A_66, %dma_start3A_67] : memref<4104x128xf32, #tpu.memory_space<hbm>> -> memref<4104x128xf32, #tpu.memory_space<hbm>>
    tpu.enqueue_indirect_dma source(%dma_start3A_68 : memref<4104x128xf32, #tpu.memory_space<hbm>>) target(%arg11 : memref<16x128xf32, #tpu.memory_space<vmem>>) offsets(%dma_start3A_65 : memref<16xi32, #tpu.memory_space<vmem>>) semaphore(%arg12 : memref<!tpu.dma_semaphore, #tpu.memory_space<semaphore_mem>>) {add = true}
    %dma_start3A_69 = arith.constant 48 : i32
    %dma_start3A_70 = tpu.memref_slice %arg10[%dma_start3A_69] : memref<256xi32, #tpu.memory_space<vmem>> -> memref<16xi32, #tpu.memory_space<vmem>>
    %dma_start3A_71 = arith.constant 0 : i32
    %dma_start3A_72 = arith.constant 0 : i32
    %dma_start3A_73 = tpu.memref_slice %arg4[%dma_start3A_71, %dma_start3A_72] : memref<4104x128xf32, #tpu.memory_space<hbm>> -> memref<4104x128xf32, #tpu.memory_space<hbm>>
    tpu.enqueue_indirect_dma source(%dma_start3A_73 : memref<4104x128xf32, #tpu.memory_space<hbm>>) target(%arg11 : memref<16x128xf32, #tpu.memory_space<vmem>>) offsets(%dma_start3A_70 : memref<16xi32, #tpu.memory_space<vmem>>) semaphore(%arg12 : memref<!tpu.dma_semaphore, #tpu.memory_space<semaphore_mem>>) {add = true}
    %dma_start3A_74 = arith.constant 64 : i32
    %dma_start3A_75 = tpu.memref_slice %arg10[%dma_start3A_74] : memref<256xi32, #tpu.memory_space<vmem>> -> memref<16xi32, #tpu.memory_space<vmem>>
    %dma_start3A_76 = arith.constant 0 : i32
    %dma_start3A_77 = arith.constant 0 : i32
    %dma_start3A_78 = tpu.memref_slice %arg4[%dma_start3A_76, %dma_start3A_77] : memref<4104x128xf32, #tpu.memory_space<hbm>> -> memref<4104x128xf32, #tpu.memory_space<hbm>>
    tpu.enqueue_indirect_dma source(%dma_start3A_78 : memref<4104x128xf32, #tpu.memory_space<hbm>>) target(%arg11 : memref<16x128xf32, #tpu.memory_space<vmem>>) offsets(%dma_start3A_75 : memref<16xi32, #tpu.memory_space<vmem>>) semaphore(%arg12 : memref<!tpu.dma_semaphore, #tpu.memory_space<semaphore_mem>>) {add = true}
    %dma_start3A_79 = arith.constant 80 : i32
    %dma_start3A_80 = tpu.memref_slice %arg10[%dma_start3A_79] : memref<256xi32, #tpu.memory_space<vmem>> -> memref<16xi32, #tpu.memory_space<vmem>>
    %dma_start3A_81 = arith.constant 0 : i32
    %dma_start3A_82 = arith.constant 0 : i32
    %dma_start3A_83 = tpu.memref_slice %arg4[%dma_start3A_81, %dma_start3A_82] : memref<4104x128xf32, #tpu.memory_space<hbm>> -> memref<4104x128xf32, #tpu.memory_space<hbm>>
    tpu.enqueue_indirect_dma source(%dma_start3A_83 : memref<4104x128xf32, #tpu.memory_space<hbm>>) target(%arg11 : memref<16x128xf32, #tpu.memory_space<vmem>>) offsets(%dma_start3A_80 : memref<16xi32, #tpu.memory_space<vmem>>) semaphore(%arg12 : memref<!tpu.dma_semaphore, #tpu.memory_space<semaphore_mem>>) {add = true}
    %dma_start3A_84 = arith.constant 96 : i32
    %dma_start3A_85 = tpu.memref_slice %arg10[%dma_start3A_84] : memref<256xi32, #tpu.memory_space<vmem>> -> memref<16xi32, #tpu.memory_space<vmem>>
    %dma_start3A_86 = arith.constant 0 : i32
    %dma_start3A_87 = arith.constant 0 : i32
    %dma_start3A_88 = tpu.memref_slice %arg4[%dma_start3A_86, %dma_start3A_87] : memref<4104x128xf32, #tpu.memory_space<hbm>> -> memref<4104x128xf32, #tpu.memory_space<hbm>>
    tpu.enqueue_indirect_dma source(%dma_start3A_88 : memref<4104x128xf32, #tpu.memory_space<hbm>>) target(%arg11 : memref<16x128xf32, #tpu.memory_space<vmem>>) offsets(%dma_start3A_85 : memref<16xi32, #tpu.memory_space<vmem>>) semaphore(%arg12 : memref<!tpu.dma_semaphore, #tpu.memory_space<semaphore_mem>>) {add = true}
    %dma_start3A_89 = arith.constant 112 : i32
    %dma_start3A_90 = tpu.memref_slice %arg10[%dma_start3A_89] : memref<256xi32, #tpu.memory_space<vmem>> -> memref<16xi32, #tpu.memory_space<vmem>>
    %dma_start3A_91 = arith.constant 0 : i32
    %dma_start3A_92 = arith.constant 0 : i32
    %dma_start3A_93 = tpu.memref_slice %arg4[%dma_start3A_91, %dma_start3A_92] : memref<4104x128xf32, #tpu.memory_space<hbm>> -> memref<4104x128xf32, #tpu.memory_space<hbm>>
    tpu.enqueue_indirect_dma source(%dma_start3A_93 : memref<4104x128xf32, #tpu.memory_space<hbm>>) target(%arg11 : memref<16x128xf32, #tpu.memory_space<vmem>>) offsets(%dma_start3A_90 : memref<16xi32, #tpu.memory_space<vmem>>) semaphore(%arg12 : memref<!tpu.dma_semaphore, #tpu.memory_space<semaphore_mem>>) {add = true}
    %dma_start3A_94 = arith.constant 128 : i32
    %dma_start3A_95 = tpu.memref_slice %arg10[%dma_start3A_94] : memref<256xi32, #tpu.memory_space<vmem>> -> memref<16xi32, #tpu.memory_space<vmem>>
    %dma_start3A_96 = arith.constant 0 : i32
    %dma_start3A_97 = arith.constant 0 : i32
    %dma_start3A_98 = tpu.memref_slice %arg4[%dma_start3A_96, %dma_start3A_97] : memref<4104x128xf32, #tpu.memory_space<hbm>> -> memref<4104x128xf32, #tpu.memory_space<hbm>>
    tpu.enqueue_indirect_dma source(%dma_start3A_98 : memref<4104x128xf32, #tpu.memory_space<hbm>>) target(%arg11 : memref<16x128xf32, #tpu.memory_space<vmem>>) offsets(%dma_start3A_95 : memref<16xi32, #tpu.memory_space<vmem>>) semaphore(%arg12 : memref<!tpu.dma_semaphore, #tpu.memory_space<semaphore_mem>>) {add = true}
    %dma_start3A_99 = arith.constant 144 : i32
    %dma_start3A_100 = tpu.memref_slice %arg10[%dma_start3A_99] : memref<256xi32, #tpu.memory_space<vmem>> -> memref<16xi32, #tpu.memory_space<vmem>>
    %dma_start3A_101 = arith.constant 0 : i32
    %dma_start3A_102 = arith.constant 0 : i32
    %dma_start3A_103 = tpu.memref_slice %arg4[%dma_start3A_101, %dma_start3A_102] : memref<4104x128xf32, #tpu.memory_space<hbm>> -> memref<4104x128xf32, #tpu.memory_space<hbm>>
    tpu.enqueue_indirect_dma source(%dma_start3A_103 : memref<4104x128xf32, #tpu.memory_space<hbm>>) target(%arg11 : memref<16x128xf32, #tpu.memory_space<vmem>>) offsets(%dma_start3A_100 : memref<16xi32, #tpu.memory_space<vmem>>) semaphore(%arg12 : memref<!tpu.dma_semaphore, #tpu.memory_space<semaphore_mem>>) {add = true}
    %dma_start3A_104 = arith.constant 160 : i32
    %dma_start3A_105 = tpu.memref_slice %arg10[%dma_start3A_104] : memref<256xi32, #tpu.memory_space<vmem>> -> memref<16xi32, #tpu.memory_space<vmem>>
    %dma_start3A_106 = arith.constant 0 : i32
    %dma_start3A_107 = arith.constant 0 : i32
    %dma_start3A_108 = tpu.memref_slice %arg4[%dma_start3A_106, %dma_start3A_107] : memref<4104x128xf32, #tpu.memory_space<hbm>> -> memref<4104x128xf32, #tpu.memory_space<hbm>>
    tpu.enqueue_indirect_dma source(%dma_start3A_108 : memref<4104x128xf32, #tpu.memory_space<hbm>>) target(%arg11 : memref<16x128xf32, #tpu.memory_space<vmem>>) offsets(%dma_start3A_105 : memref<16xi32, #tpu.memory_space<vmem>>) semaphore(%arg12 : memref<!tpu.dma_semaphore, #tpu.memory_space<semaphore_mem>>) {add = true}
    %dma_start3A_109 = arith.constant 176 : i32
    %dma_start3A_110 = tpu.memref_slice %arg10[%dma_start3A_109] : memref<256xi32, #tpu.memory_space<vmem>> -> memref<16xi32, #tpu.memory_space<vmem>>
    %dma_start3A_111 = arith.constant 0 : i32
    %dma_start3A_112 = arith.constant 0 : i32
    %dma_start3A_113 = tpu.memref_slice %arg4[%dma_start3A_111, %dma_start3A_112] : memref<4104x128xf32, #tpu.memory_space<hbm>> -> memref<4104x128xf32, #tpu.memory_space<hbm>>
    tpu.enqueue_indirect_dma source(%dma_start3A_113 : memref<4104x128xf32, #tpu.memory_space<hbm>>) target(%arg11 : memref<16x128xf32, #tpu.memory_space<vmem>>) offsets(%dma_start3A_110 : memref<16xi32, #tpu.memory_space<vmem>>) semaphore(%arg12 : memref<!tpu.dma_semaphore, #tpu.memory_space<semaphore_mem>>) {add = true}
    %dma_start3A_114 = arith.constant 192 : i32
    %dma_start3A_115 = tpu.memref_slice %arg10[%dma_start3A_114] : memref<256xi32, #tpu.memory_space<vmem>> -> memref<16xi32, #tpu.memory_space<vmem>>
    %dma_start3A_116 = arith.constant 0 : i32
    %dma_start3A_117 = arith.constant 0 : i32
    %dma_start3A_118 = tpu.memref_slice %arg4[%dma_start3A_116, %dma_start3A_117] : memref<4104x128xf32, #tpu.memory_space<hbm>> -> memref<4104x128xf32, #tpu.memory_space<hbm>>
    tpu.enqueue_indirect_dma source(%dma_start3A_118 : memref<4104x128xf32, #tpu.memory_space<hbm>>) target(%arg11 : memref<16x128xf32, #tpu.memory_space<vmem>>) offsets(%dma_start3A_115 : memref<16xi32, #tpu.memory_space<vmem>>) semaphore(%arg12 : memref<!tpu.dma_semaphore, #tpu.memory_space<semaphore_mem>>) {add = true}
    %dma_start3A_119 = arith.constant 208 : i32
    %dma_start3A_120 = tpu.memref_slice %arg10[%dma_start3A_119] : memref<256xi32, #tpu.memory_space<vmem>> -> memref<16xi32, #tpu.memory_space<vmem>>
    %dma_start3A_121 = arith.constant 0 : i32
    %dma_start3A_122 = arith.constant 0 : i32
    %dma_start3A_123 = tpu.memref_slice %arg4[%dma_start3A_121, %dma_start3A_122] : memref<4104x128xf32, #tpu.memory_space<hbm>> -> memref<4104x128xf32, #tpu.memory_space<hbm>>
    tpu.enqueue_indirect_dma source(%dma_start3A_123 : memref<4104x128xf32, #tpu.memory_space<hbm>>) target(%arg11 : memref<16x128xf32, #tpu.memory_space<vmem>>) offsets(%dma_start3A_120 : memref<16xi32, #tpu.memory_space<vmem>>) semaphore(%arg12 : memref<!tpu.dma_semaphore, #tpu.memory_space<semaphore_mem>>) {add = true}
    %dma_start3A_124 = arith.constant 224 : i32
    %dma_start3A_125 = tpu.memref_slice %arg10[%dma_start3A_124] : memref<256xi32, #tpu.memory_space<vmem>> -> memref<16xi32, #tpu.memory_space<vmem>>
    %dma_start3A_126 = arith.constant 0 : i32
    %dma_start3A_127 = arith.constant 0 : i32
    %dma_start3A_128 = tpu.memref_slice %arg4[%dma_start3A_126, %dma_start3A_127] : memref<4104x128xf32, #tpu.memory_space<hbm>> -> memref<4104x128xf32, #tpu.memory_space<hbm>>
    tpu.enqueue_indirect_dma source(%dma_start3A_128 : memref<4104x128xf32, #tpu.memory_space<hbm>>) target(%arg11 : memref<16x128xf32, #tpu.memory_space<vmem>>) offsets(%dma_start3A_125 : memref<16xi32, #tpu.memory_space<vmem>>) semaphore(%arg12 : memref<!tpu.dma_semaphore, #tpu.memory_space<semaphore_mem>>) {add = true}
    %dma_start3A_129 = arith.constant 240 : i32
    %dma_start3A_130 = tpu.memref_slice %arg10[%dma_start3A_129] : memref<256xi32, #tpu.memory_space<vmem>> -> memref<16xi32, #tpu.memory_space<vmem>>
    %dma_start3A_131 = arith.constant 0 : i32
    %dma_start3A_132 = arith.constant 0 : i32
    %dma_start3A_133 = tpu.memref_slice %arg4[%dma_start3A_131, %dma_start3A_132] : memref<4104x128xf32, #tpu.memory_space<hbm>> -> memref<4104x128xf32, #tpu.memory_space<hbm>>
    tpu.enqueue_indirect_dma source(%dma_start3A_133 : memref<4104x128xf32, #tpu.memory_space<hbm>>) target(%arg11 : memref<16x128xf32, #tpu.memory_space<vmem>>) offsets(%dma_start3A_130 : memref<16xi32, #tpu.memory_space<vmem>>) semaphore(%arg12 : memref<!tpu.dma_semaphore, #tpu.memory_space<semaphore_mem>>) {add = true}
    %dma_wait3A_134 = arith.constant 16 : i32
    %dma_wait3A_135 = tpu.memref_slice %arg10[%dma_wait3A_134] : memref<256xi32, #tpu.memory_space<vmem>> -> memref<16xi32, #tpu.memory_space<vmem>>
    %dma_wait3A_136 = arith.constant 0 : i32
    %dma_wait3A_137 = arith.constant 0 : i32
    %dma_wait3A_138 = tpu.memref_slice %arg4[%dma_wait3A_136, %dma_wait3A_137] : memref<4104x128xf32, #tpu.memory_space<hbm>> -> memref<4104x128xf32, #tpu.memory_space<hbm>>
    tpu.wait_indirect_dma semaphore(%arg12 : memref<!tpu.dma_semaphore, #tpu.memory_space<semaphore_mem>>) src(%dma_wait3A_138 : memref<4104x128xf32, #tpu.memory_space<hbm>>) dst(%arg11 : memref<16x128xf32, #tpu.memory_space<vmem>>)
    %dma_wait3A_139 = arith.constant 32 : i32
    %dma_wait3A_140 = tpu.memref_slice %arg10[%dma_wait3A_139] : memref<256xi32, #tpu.memory_space<vmem>> -> memref<16xi32, #tpu.memory_space<vmem>>
    %dma_wait3A_141 = arith.constant 0 : i32
    %dma_wait3A_142 = arith.constant 0 : i32
    %dma_wait3A_143 = tpu.memref_slice %arg4[%dma_wait3A_141, %dma_wait3A_142] : memref<4104x128xf32, #tpu.memory_space<hbm>> -> memref<4104x128xf32, #tpu.memory_space<hbm>>
    tpu.wait_indirect_dma semaphore(%arg12 : memref<!tpu.dma_semaphore, #tpu.memory_space<semaphore_mem>>) src(%dma_wait3A_143 : memref<4104x128xf32, #tpu.memory_space<hbm>>) dst(%arg11 : memref<16x128xf32, #tpu.memory_space<vmem>>)
    %dma_wait3A_144 = arith.constant 48 : i32
    %dma_wait3A_145 = tpu.memref_slice %arg10[%dma_wait3A_144] : memref<256xi32, #tpu.memory_space<vmem>> -> memref<16xi32, #tpu.memory_space<vmem>>
    %dma_wait3A_146 = arith.constant 0 : i32
    %dma_wait3A_147 = arith.constant 0 : i32
    %dma_wait3A_148 = tpu.memref_slice %arg4[%dma_wait3A_146, %dma_wait3A_147] : memref<4104x128xf32, #tpu.memory_space<hbm>> -> memref<4104x128xf32, #tpu.memory_space<hbm>>
    tpu.wait_indirect_dma semaphore(%arg12 : memref<!tpu.dma_semaphore, #tpu.memory_space<semaphore_mem>>) src(%dma_wait3A_148 : memref<4104x128xf32, #tpu.memory_space<hbm>>) dst(%arg11 : memref<16x128xf32, #tpu.memory_space<vmem>>)
    %dma_wait3A_149 = arith.constant 64 : i32
    %dma_wait3A_150 = tpu.memref_slice %arg10[%dma_wait3A_149] : memref<256xi32, #tpu.memory_space<vmem>> -> memref<16xi32, #tpu.memory_space<vmem>>
    %dma_wait3A_151 = arith.constant 0 : i32
    %dma_wait3A_152 = arith.constant 0 : i32
    %dma_wait3A_153 = tpu.memref_slice %arg4[%dma_wait3A_151, %dma_wait3A_152] : memref<4104x128xf32, #tpu.memory_space<hbm>> -> memref<4104x128xf32, #tpu.memory_space<hbm>>
    tpu.wait_indirect_dma semaphore(%arg12 : memref<!tpu.dma_semaphore, #tpu.memory_space<semaphore_mem>>) src(%dma_wait3A_153 : memref<4104x128xf32, #tpu.memory_space<hbm>>) dst(%arg11 : memref<16x128xf32, #tpu.memory_space<vmem>>)
    %dma_wait3A_154 = arith.constant 80 : i32
    %dma_wait3A_155 = tpu.memref_slice %arg10[%dma_wait3A_154] : memref<256xi32, #tpu.memory_space<vmem>> -> memref<16xi32, #tpu.memory_space<vmem>>
    %dma_wait3A_156 = arith.constant 0 : i32
    %dma_wait3A_157 = arith.constant 0 : i32
    %dma_wait3A_158 = tpu.memref_slice %arg4[%dma_wait3A_156, %dma_wait3A_157] : memref<4104x128xf32, #tpu.memory_space<hbm>> -> memref<4104x128xf32, #tpu.memory_space<hbm>>
    tpu.wait_indirect_dma semaphore(%arg12 : memref<!tpu.dma_semaphore, #tpu.memory_space<semaphore_mem>>) src(%dma_wait3A_158 : memref<4104x128xf32, #tpu.memory_space<hbm>>) dst(%arg11 : memref<16x128xf32, #tpu.memory_space<vmem>>)
    %dma_wait3A_159 = arith.constant 96 : i32
    %dma_wait3A_160 = tpu.memref_slice %arg10[%dma_wait3A_159] : memref<256xi32, #tpu.memory_space<vmem>> -> memref<16xi32, #tpu.memory_space<vmem>>
    %dma_wait3A_161 = arith.constant 0 : i32
    %dma_wait3A_162 = arith.constant 0 : i32
    %dma_wait3A_163 = tpu.memref_slice %arg4[%dma_wait3A_161, %dma_wait3A_162] : memref<4104x128xf32, #tpu.memory_space<hbm>> -> memref<4104x128xf32, #tpu.memory_space<hbm>>
    tpu.wait_indirect_dma semaphore(%arg12 : memref<!tpu.dma_semaphore, #tpu.memory_space<semaphore_mem>>) src(%dma_wait3A_163 : memref<4104x128xf32, #tpu.memory_space<hbm>>) dst(%arg11 : memref<16x128xf32, #tpu.memory_space<vmem>>)
    %dma_wait3A_164 = arith.constant 112 : i32
    %dma_wait3A_165 = tpu.memref_slice %arg10[%dma_wait3A_164] : memref<256xi32, #tpu.memory_space<vmem>> -> memref<16xi32, #tpu.memory_space<vmem>>
    %dma_wait3A_166 = arith.constant 0 : i32
    %dma_wait3A_167 = arith.constant 0 : i32
    %dma_wait3A_168 = tpu.memref_slice %arg4[%dma_wait3A_166, %dma_wait3A_167] : memref<4104x128xf32, #tpu.memory_space<hbm>> -> memref<4104x128xf32, #tpu.memory_space<hbm>>
    tpu.wait_indirect_dma semaphore(%arg12 : memref<!tpu.dma_semaphore, #tpu.memory_space<semaphore_mem>>) src(%dma_wait3A_168 : memref<4104x128xf32, #tpu.memory_space<hbm>>) dst(%arg11 : memref<16x128xf32, #tpu.memory_space<vmem>>)
    %dma_wait3A_169 = arith.constant 128 : i32
    %dma_wait3A_170 = tpu.memref_slice %arg10[%dma_wait3A_169] : memref<256xi32, #tpu.memory_space<vmem>> -> memref<16xi32, #tpu.memory_space<vmem>>
    %dma_wait3A_171 = arith.constant 0 : i32
    %dma_wait3A_172 = arith.constant 0 : i32
    %dma_wait3A_173 = tpu.memref_slice %arg4[%dma_wait3A_171, %dma_wait3A_172] : memref<4104x128xf32, #tpu.memory_space<hbm>> -> memref<4104x128xf32, #tpu.memory_space<hbm>>
    tpu.wait_indirect_dma semaphore(%arg12 : memref<!tpu.dma_semaphore, #tpu.memory_space<semaphore_mem>>) src(%dma_wait3A_173 : memref<4104x128xf32, #tpu.memory_space<hbm>>) dst(%arg11 : memref<16x128xf32, #tpu.memory_space<vmem>>)
    %dma_wait3A_174 = arith.constant 144 : i32
    %dma_wait3A_175 = tpu.memref_slice %arg10[%dma_wait3A_174] : memref<256xi32, #tpu.memory_space<vmem>> -> memref<16xi32, #tpu.memory_space<vmem>>
    %dma_wait3A_176 = arith.constant 0 : i32
    %dma_wait3A_177 = arith.constant 0 : i32
    %dma_wait3A_178 = tpu.memref_slice %arg4[%dma_wait3A_176, %dma_wait3A_177] : memref<4104x128xf32, #tpu.memory_space<hbm>> -> memref<4104x128xf32, #tpu.memory_space<hbm>>
    tpu.wait_indirect_dma semaphore(%arg12 : memref<!tpu.dma_semaphore, #tpu.memory_space<semaphore_mem>>) src(%dma_wait3A_178 : memref<4104x128xf32, #tpu.memory_space<hbm>>) dst(%arg11 : memref<16x128xf32, #tpu.memory_space<vmem>>)
    %dma_wait3A_179 = arith.constant 160 : i32
    %dma_wait3A_180 = tpu.memref_slice %arg10[%dma_wait3A_179] : memref<256xi32, #tpu.memory_space<vmem>> -> memref<16xi32, #tpu.memory_space<vmem>>
    %dma_wait3A_181 = arith.constant 0 : i32
    %dma_wait3A_182 = arith.constant 0 : i32
    %dma_wait3A_183 = tpu.memref_slice %arg4[%dma_wait3A_181, %dma_wait3A_182] : memref<4104x128xf32, #tpu.memory_space<hbm>> -> memref<4104x128xf32, #tpu.memory_space<hbm>>
    tpu.wait_indirect_dma semaphore(%arg12 : memref<!tpu.dma_semaphore, #tpu.memory_space<semaphore_mem>>) src(%dma_wait3A_183 : memref<4104x128xf32, #tpu.memory_space<hbm>>) dst(%arg11 : memref<16x128xf32, #tpu.memory_space<vmem>>)
    %dma_wait3A_184 = arith.constant 176 : i32
    %dma_wait3A_185 = tpu.memref_slice %arg10[%dma_wait3A_184] : memref<256xi32, #tpu.memory_space<vmem>> -> memref<16xi32, #tpu.memory_space<vmem>>
    %dma_wait3A_186 = arith.constant 0 : i32
    %dma_wait3A_187 = arith.constant 0 : i32
    %dma_wait3A_188 = tpu.memref_slice %arg4[%dma_wait3A_186, %dma_wait3A_187] : memref<4104x128xf32, #tpu.memory_space<hbm>> -> memref<4104x128xf32, #tpu.memory_space<hbm>>
    tpu.wait_indirect_dma semaphore(%arg12 : memref<!tpu.dma_semaphore, #tpu.memory_space<semaphore_mem>>) src(%dma_wait3A_188 : memref<4104x128xf32, #tpu.memory_space<hbm>>) dst(%arg11 : memref<16x128xf32, #tpu.memory_space<vmem>>)
    %dma_wait3A_189 = arith.constant 192 : i32
    %dma_wait3A_190 = tpu.memref_slice %arg10[%dma_wait3A_189] : memref<256xi32, #tpu.memory_space<vmem>> -> memref<16xi32, #tpu.memory_space<vmem>>
    %dma_wait3A_191 = arith.constant 0 : i32
    %dma_wait3A_192 = arith.constant 0 : i32
    %dma_wait3A_193 = tpu.memref_slice %arg4[%dma_wait3A_191, %dma_wait3A_192] : memref<4104x128xf32, #tpu.memory_space<hbm>> -> memref<4104x128xf32, #tpu.memory_space<hbm>>
    tpu.wait_indirect_dma semaphore(%arg12 : memref<!tpu.dma_semaphore, #tpu.memory_space<semaphore_mem>>) src(%dma_wait3A_193 : memref<4104x128xf32, #tpu.memory_space<hbm>>) dst(%arg11 : memref<16x128xf32, #tpu.memory_space<vmem>>)
    %dma_wait3A_194 = arith.constant 208 : i32
    %dma_wait3A_195 = tpu.memref_slice %arg10[%dma_wait3A_194] : memref<256xi32, #tpu.memory_space<vmem>> -> memref<16xi32, #tpu.memory_space<vmem>>
    %dma_wait3A_196 = arith.constant 0 : i32
    %dma_wait3A_197 = arith.constant 0 : i32
    %dma_wait3A_198 = tpu.memref_slice %arg4[%dma_wait3A_196, %dma_wait3A_197] : memref<4104x128xf32, #tpu.memory_space<hbm>> -> memref<4104x128xf32, #tpu.memory_space<hbm>>
    tpu.wait_indirect_dma semaphore(%arg12 : memref<!tpu.dma_semaphore, #tpu.memory_space<semaphore_mem>>) src(%dma_wait3A_198 : memref<4104x128xf32, #tpu.memory_space<hbm>>) dst(%arg11 : memref<16x128xf32, #tpu.memory_space<vmem>>)
    %dma_wait3A_199 = arith.constant 224 : i32
    %dma_wait3A_200 = tpu.memref_slice %arg10[%dma_wait3A_199] : memref<256xi32, #tpu.memory_space<vmem>> -> memref<16xi32, #tpu.memory_space<vmem>>
    %dma_wait3A_201 = arith.constant 0 : i32
    %dma_wait3A_202 = arith.constant 0 : i32
    %dma_wait3A_203 = tpu.memref_slice %arg4[%dma_wait3A_201, %dma_wait3A_202] : memref<4104x128xf32, #tpu.memory_space<hbm>> -> memref<4104x128xf32, #tpu.memory_space<hbm>>
    tpu.wait_indirect_dma semaphore(%arg12 : memref<!tpu.dma_semaphore, #tpu.memory_space<semaphore_mem>>) src(%dma_wait3A_203 : memref<4104x128xf32, #tpu.memory_space<hbm>>) dst(%arg11 : memref<16x128xf32, #tpu.memory_space<vmem>>)
    %dma_wait3A_204 = arith.constant 240 : i32
    %dma_wait3A_205 = tpu.memref_slice %arg10[%dma_wait3A_204] : memref<256xi32, #tpu.memory_space<vmem>> -> memref<16xi32, #tpu.memory_space<vmem>>
    %dma_wait3A_206 = arith.constant 0 : i32
    %dma_wait3A_207 = arith.constant 0 : i32
    %dma_wait3A_208 = tpu.memref_slice %arg4[%dma_wait3A_206, %dma_wait3A_207] : memref<4104x128xf32, #tpu.memory_space<hbm>> -> memref<4104x128xf32, #tpu.memory_space<hbm>>
    tpu.wait_indirect_dma semaphore(%arg12 : memref<!tpu.dma_semaphore, #tpu.memory_space<semaphore_mem>>) src(%dma_wait3A_208 : memref<4104x128xf32, #tpu.memory_space<hbm>>) dst(%arg11 : memref<16x128xf32, #tpu.memory_space<vmem>>)
    "tpu.region"() ({
      %run_scoped3A = tpu.sem_alloc : memref<!tpu.dma_semaphore, #tpu.memory_space<semaphore_mem>>
      %dma_start3A_209 = arith.constant 0 : i32
      %dma_start3A_210 = tpu.memref_slice %arg5[%mul3A_2, %dma_start3A_209] : memref<512x128xf32, #tpu.memory_space<hbm>> -> memref<16x128xf32, #tpu.memory_space<hbm>>
      %dma_start3A_211 = arith.constant 0 : i32
      %dma_start3A_212 = tpu.memref_slice %arg5[%mul3A_2, %dma_start3A_211] : memref<512x128xf32, #tpu.memory_space<hbm>> -> memref<16x128xf32, #tpu.memory_space<hbm>>
      tpu.enqueue_dma source(%arg11 : memref<16x128xf32, #tpu.memory_space<vmem>>) target(%dma_start3A_212 : memref<16x128xf32, #tpu.memory_space<hbm>>) target_semaphore(%run_scoped3A : memref<!tpu.dma_semaphore, #tpu.memory_space<semaphore_mem>>)
      %dma_wait3A_213 = arith.constant 0 : i32
      %dma_wait3A_214 = tpu.memref_slice %arg5[%mul3A_2, %dma_wait3A_213] : memref<512x128xf32, #tpu.memory_space<hbm>> -> memref<16x128xf32, #tpu.memory_space<hbm>>
      %dma_wait3A_215 = arith.constant 0 : i32
      %dma_wait3A_216 = tpu.memref_slice %arg5[%mul3A_2, %dma_wait3A_215] : memref<512x128xf32, #tpu.memory_space<hbm>> -> memref<16x128xf32, #tpu.memory_space<hbm>>
      tpu.wait_dma2 semaphore(%run_scoped3A : memref<!tpu.dma_semaphore, #tpu.memory_space<semaphore_mem>>) src(%arg11 : memref<16x128xf32, #tpu.memory_space<vmem>>) dst(%dma_wait3A_216 : memref<16x128xf32, #tpu.memory_space<hbm>>)
      tpu.yield
    }) : () -> ()
    return
  }
}

module attributes {stable_mosaic.version = 14 : i64} {
  func.func @_tc1_body(%arg0: memref<4096x128xf32, #tpu.memory_space<vmem>>, %arg1: memref<128x4096xf32, #tpu.memory_space<vmem>>, %arg2: memref<128x128xf32, #tpu.memory_space<vmem>>, %arg3: memref<512x4096xf32, #tpu.memory_space<vmem>>, %arg4: memref<512x1xf32, #tpu.memory_space<vmem>>, %arg5: memref<4096x128xf32, #tpu.memory_space<vmem>>, %arg6: memref<1x4096xf32, #tpu.memory_space<vmem>>) attributes {dimension_semantics = [], scalar_prefetch = 0 : i64, scratch_operands = 0 : i64, tpu.core_type = #tpu.core_type<tc>} {
    %get3A = arith.constant 0 : index
    %get3A_0 = arith.constant 0 : index
    %get3A_1 = vector.load %arg1[%get3A, %get3A_0] : memref<128x4096xf32, #tpu.memory_space<vmem>>, vector<128x4096xf32>
    %mul3A = arith.mulf %get3A_1, %get3A_1 : vector<128x4096xf32>
    %reduce_sum3A = arith.constant dense<0.000000e+00> : vector<4096xf32>
    %reduce_sum3A_2 = vector.multi_reduction <add>, %mul3A, %reduce_sum3A [0] : vector<128x4096xf32> to vector<4096xf32>
    %broadcast_in_dim3A = vector.shape_cast %reduce_sum3A_2 : vector<4096xf32> to vector<1x4096xf32>
    %swap3A = arith.constant 0 : index
    %swap3A_3 = arith.constant 0 : index
    %swap3A_4 = vector.load %arg6[%swap3A, %swap3A_3] : memref<1x4096xf32, #tpu.memory_space<vmem>>, vector<1x4096xf32>
    tpu.vector_store %arg6[%swap3A, %swap3A_3], %broadcast_in_dim3A {strides = array<i32>} : memref<1x4096xf32, #tpu.memory_space<vmem>>, vector<1x4096xf32>,
    %get3A_5 = arith.constant 0 : index
    %get3A_6 = arith.constant 0 : index
    %get3A_7 = vector.load %arg0[%get3A_5, %get3A_6] : memref<4096x128xf32, #tpu.memory_space<vmem>>, vector<4096x128xf32>
    %get3A_8 = arith.constant 0 : index
    %get3A_9 = arith.constant 0 : index
    %get3A_10 = vector.load %arg2[%get3A_8, %get3A_9] : memref<128x128xf32, #tpu.memory_space<vmem>>, vector<128x128xf32>
    %dot_general3A = arith.constant dense<0.000000e+00> : vector<4096x128xf32>
    %dot_general3A_11 = tpu.matmul %get3A_7, %get3A_10, %dot_general3A {dimension_numbers = #tpu.dot_dimension_numbers<[1], [0], [0], [1], [0, 0, 1, 1], [], []>, transpose_lhs_hint = false} : vector<4096x128xf32>, vector<128x128xf32>, vector<4096x128xf32> -> vector<4096x128xf32>
    %swap3A_12 = arith.constant 0 : index
    %swap3A_13 = arith.constant 0 : index
    %swap3A_14 = vector.load %arg5[%swap3A_12, %swap3A_13] : memref<4096x128xf32, #tpu.memory_space<vmem>>, vector<4096x128xf32>
    tpu.vector_store %arg5[%swap3A_12, %swap3A_13], %dot_general3A_11 {strides = array<i32>} : memref<4096x128xf32, #tpu.memory_space<vmem>>, vector<4096x128xf32>,
    %get3A_15 = arith.constant 3584 : index
    %get3A_16 = arith.constant 0 : index
    %get3A_17 = vector.load %arg0[%get3A_15, %get3A_16] : memref<4096x128xf32, #tpu.memory_space<vmem>>, vector<512x128xf32>
    %mul3A_18 = arith.mulf %get3A_17, %get3A_17 : vector<512x128xf32>
    %reduce_sum3A_19 = arith.constant dense<0.000000e+00> : vector<512xf32>
    %reduce_sum3A_20 = vector.multi_reduction <add>, %mul3A_18, %reduce_sum3A_19 [1] : vector<512x128xf32> to vector<512xf32>
    %broadcast_in_dim3A_21 = vector.shape_cast %reduce_sum3A_20 : vector<512xf32> to vector<512x1xf32>
    %get3A_22 = arith.constant 0 : index
    %get3A_23 = arith.constant 0 : index
    %get3A_24 = vector.load %arg1[%get3A_22, %get3A_23] : memref<128x4096xf32, #tpu.memory_space<vmem>>, vector<128x4096xf32>
    %dot_general3A_25 = arith.constant dense<0.000000e+00> : vector<512x4096xf32>
    %dot_general3A_26 = tpu.matmul %get3A_17, %get3A_24, %dot_general3A_25 {dimension_numbers = #tpu.dot_dimension_numbers<[1], [0], [0], [1], [0, 0, 1, 1], [], []>, transpose_lhs_hint = false} : vector<512x128xf32>, vector<128x4096xf32>, vector<512x4096xf32> -> vector<512x4096xf32>
    %add3A = vector.broadcast %broadcast_in_dim3A_21 : vector<512x1xf32> to vector<512x4096xf32>
    %add3A_27 = vector.broadcast %broadcast_in_dim3A : vector<1x4096xf32> to vector<512x4096xf32>
    %add3A_28 = arith.addf %add3A, %add3A_27 : vector<512x4096xf32>
    %mul3A_29 = arith.constant 2.000000e+00 : f32
    %mul3A_30 = vector.broadcast %mul3A_29 : f32 to vector<512x4096xf32>
    %mul3A_31 = arith.mulf %mul3A_30, %dot_general3A_26 : vector<512x4096xf32>
    %sub3A = arith.subf %add3A_28, %mul3A_31 : vector<512x4096xf32>
    %iota3A = tpu.iota {dimensions = array<i32: 0>} : vector<512x4096xi32>
    %add3A_32 = arith.constant 3584 : i32
    %add3A_33 = vector.broadcast %add3A_32 : i32 to vector<512x4096xi32>
    %add3A_34 = arith.addi %add3A_33, %iota3A : vector<512x4096xi32>
    %iota3A_35 = tpu.iota {dimensions = array<i32: 1>} : vector<512x4096xi32>
    %eq3A = arith.cmpi eq, %add3A_34, %iota3A_35 : vector<512x4096xi32>
    %jit3A = arith.constant 0x7F800000 : f32
    %broadcast_in_dim3A_36 = vector.broadcast %jit3A : f32 to vector<512x4096xf32>
    %select_n3A = arith.select %eq3A, %broadcast_in_dim3A_36, %sub3A : vector<512x4096xi1>, vector<512x4096xf32>
    %swap3A_37 = arith.constant 0 : index
    %swap3A_38 = arith.constant 0 : index
    %swap3A_39 = vector.load %arg3[%swap3A_37, %swap3A_38] : memref<512x4096xf32, #tpu.memory_space<vmem>>, vector<512x4096xf32>
    tpu.vector_store %arg3[%swap3A_37, %swap3A_38], %select_n3A {strides = array<i32>} : memref<512x4096xf32, #tpu.memory_space<vmem>>, vector<512x4096xf32>,
    %slice3A = vector.extract_strided_slice %select_n3A {offsets = [0, 0], sizes = [512, 512], strides = [1, 1]} : vector<512x4096xf32> to vector<512x512xf32>
    %slice3A_40 = vector.extract_strided_slice %select_n3A {offsets = [0, 512], sizes = [512, 512], strides = [1, 1]} : vector<512x4096xf32> to vector<512x512xf32>
    %slice3A_41 = vector.extract_strided_slice %select_n3A {offsets = [0, 1024], sizes = [512, 512], strides = [1, 1]} : vector<512x4096xf32> to vector<512x512xf32>
    %slice3A_42 = vector.extract_strided_slice %select_n3A {offsets = [0, 1536], sizes = [512, 512], strides = [1, 1]} : vector<512x4096xf32> to vector<512x512xf32>
    %slice3A_43 = vector.extract_strided_slice %select_n3A {offsets = [0, 2048], sizes = [512, 512], strides = [1, 1]} : vector<512x4096xf32> to vector<512x512xf32>
    %slice3A_44 = vector.extract_strided_slice %select_n3A {offsets = [0, 2560], sizes = [512, 512], strides = [1, 1]} : vector<512x4096xf32> to vector<512x512xf32>
    %slice3A_45 = vector.extract_strided_slice %select_n3A {offsets = [0, 3072], sizes = [512, 512], strides = [1, 1]} : vector<512x4096xf32> to vector<512x512xf32>
    %slice3A_46 = vector.extract_strided_slice %select_n3A {offsets = [0, 3584], sizes = [512, 512], strides = [1, 1]} : vector<512x4096xf32> to vector<512x512xf32>
    %min3A = arith.minimumf %slice3A, %slice3A_40 : vector<512x512xf32>
    %max3A = arith.maximumf %slice3A, %slice3A_40 : vector<512x512xf32>
    %min3A_47 = arith.minimumf %slice3A_41, %slice3A_42 : vector<512x512xf32>
    %max3A_48 = arith.maximumf %slice3A_41, %slice3A_42 : vector<512x512xf32>
    %min3A_49 = arith.minimumf %min3A, %min3A_47 : vector<512x512xf32>
    %max3A_50 = arith.maximumf %min3A, %min3A_47 : vector<512x512xf32>
    %min3A_51 = arith.minimumf %max3A, %max3A_48 : vector<512x512xf32>
    %max3A_52 = arith.maximumf %max3A, %max3A_48 : vector<512x512xf32>
    %min3A_53 = arith.minimumf %min3A_51, %max3A_50 : vector<512x512xf32>
    %max3A_54 = arith.maximumf %min3A_51, %max3A_50 : vector<512x512xf32>
    %min3A_55 = arith.minimumf %slice3A_43, %slice3A_44 : vector<512x512xf32>
    %max3A_56 = arith.maximumf %slice3A_43, %slice3A_44 : vector<512x512xf32>
    %min3A_57 = arith.minimumf %slice3A_45, %slice3A_46 : vector<512x512xf32>
    %max3A_58 = arith.maximumf %slice3A_45, %slice3A_46 : vector<512x512xf32>
    %min3A_59 = arith.minimumf %min3A_55, %min3A_57 : vector<512x512xf32>
    %max3A_60 = arith.maximumf %min3A_55, %min3A_57 : vector<512x512xf32>
    %min3A_61 = arith.minimumf %max3A_56, %max3A_58 : vector<512x512xf32>
    %max3A_62 = arith.maximumf %max3A_56, %max3A_58 : vector<512x512xf32>
    %min3A_63 = arith.minimumf %min3A_61, %max3A_60 : vector<512x512xf32>
    %max3A_64 = arith.maximumf %min3A_61, %max3A_60 : vector<512x512xf32>
    %min3A_65 = arith.minimumf %min3A_49, %min3A_59 : vector<512x512xf32>
    %max3A_66 = arith.maximumf %min3A_49, %min3A_59 : vector<512x512xf32>
    %min3A_67 = arith.minimumf %min3A_53, %min3A_63 : vector<512x512xf32>
    %max3A_68 = arith.maximumf %min3A_53, %min3A_63 : vector<512x512xf32>
    %min3A_69 = arith.minimumf %max3A_54, %max3A_64 : vector<512x512xf32>
    %max3A_70 = arith.maximumf %max3A_54, %max3A_64 : vector<512x512xf32>
    %min3A_71 = arith.minimumf %max3A_52, %max3A_62 : vector<512x512xf32>
    %max3A_72 = arith.maximumf %max3A_52, %max3A_62 : vector<512x512xf32>
    %min3A_73 = arith.minimumf %min3A_69, %max3A_66 : vector<512x512xf32>
    %max3A_74 = arith.maximumf %min3A_69, %max3A_66 : vector<512x512xf32>
    %min3A_75 = arith.minimumf %min3A_71, %max3A_68 : vector<512x512xf32>
    %max3A_76 = arith.maximumf %min3A_71, %max3A_68 : vector<512x512xf32>
    %min3A_77 = arith.minimumf %min3A_67, %min3A_73 : vector<512x512xf32>
    %max3A_78 = arith.maximumf %min3A_67, %min3A_73 : vector<512x512xf32>
    %min3A_79 = arith.minimumf %min3A_75, %max3A_74 : vector<512x512xf32>
    %max3A_80 = arith.maximumf %min3A_75, %max3A_74 : vector<512x512xf32>
    %min3A_81 = arith.minimumf %max3A_76, %max3A_70 : vector<512x512xf32>
    %max3A_82 = arith.maximumf %max3A_76, %max3A_70 : vector<512x512xf32>
    %broadcast_in_dim3A_83 = arith.constant 0.000000e+00 : f32
    %broadcast_in_dim3A_84 = vector.broadcast %broadcast_in_dim3A_83 : f32 to vector<512x1xf32>
    %broadcast_in_dim3A_85 = arith.constant 0.000000e+00 : f32
    %broadcast_in_dim3A_86 = vector.broadcast %broadcast_in_dim3A_85 : f32 to vector<512x1xf32>
    %reduce_min3A = arith.constant dense<0x7F800000> : vector<512xf32>
    %reduce_min3A_87 = vector.multi_reduction <minimumf>, %min3A_65, %reduce_min3A [1] : vector<512x512xf32> to vector<512xf32>
    %broadcast_in_dim3A_88 = vector.shape_cast %reduce_min3A_87 : vector<512xf32> to vector<512x1xf32>
    %eq3A_89 = vector.broadcast %broadcast_in_dim3A_88 : vector<512x1xf32> to vector<512x512xf32>
    %eq3A_90 = arith.cmpf oeq, %min3A_65, %eq3A_89 : vector<512x512xf32>
    %jit3A_91 = arith.constant 1.000000e+00 : f32
    %jit3A_92 = arith.constant 0.000000e+00 : f32
    %broadcast_in_dim3A_93 = vector.broadcast %jit3A_91 : f32 to vector<512x512xf32>
    %broadcast_in_dim3A_94 = vector.broadcast %jit3A_92 : f32 to vector<512x512xf32>
    %select_n3A_95 = arith.select %eq3A_90, %broadcast_in_dim3A_93, %broadcast_in_dim3A_94 : vector<512x512xi1>, vector<512x512xf32>
    %reduce_sum3A_96 = arith.constant dense<0.000000e+00> : vector<512xf32>
    %reduce_sum3A_97 = vector.multi_reduction <add>, %select_n3A_95, %reduce_sum3A_96 [1] : vector<512x512xf32> to vector<512xf32>
    %broadcast_in_dim3A_98 = vector.shape_cast %reduce_sum3A_97 : vector<512xf32> to vector<512x1xf32>
    %select_n3A_99 = arith.select %eq3A_90, %min3A_77, %min3A_65 : vector<512x512xi1>, vector<512x512xf32>
    %select_n3A_100 = arith.select %eq3A_90, %max3A_78, %min3A_77 : vector<512x512xi1>, vector<512x512xf32>
    %select_n3A_101 = arith.select %eq3A_90, %min3A_79, %max3A_78 : vector<512x512xi1>, vector<512x512xf32>
    %select_n3A_102 = arith.select %eq3A_90, %max3A_80, %min3A_79 : vector<512x512xi1>, vector<512x512xf32>
    %select_n3A_103 = arith.select %eq3A_90, %min3A_81, %max3A_80 : vector<512x512xi1>, vector<512x512xf32>
    %select_n3A_104 = arith.select %eq3A_90, %max3A_82, %min3A_81 : vector<512x512xi1>, vector<512x512xf32>
    %select_n3A_105 = arith.select %eq3A_90, %max3A_72, %max3A_82 : vector<512x512xi1>, vector<512x512xf32>
    %jit3A_106 = arith.constant 0x7F800000 : f32
    %broadcast_in_dim3A_107 = vector.broadcast %jit3A_106 : f32 to vector<512x512xf32>
    %select_n3A_108 = arith.select %eq3A_90, %broadcast_in_dim3A_107, %max3A_72 : vector<512x512xi1>, vector<512x512xf32>
    %add3A_109 = arith.addf %broadcast_in_dim3A_84, %broadcast_in_dim3A_98 : vector<512x1xf32>
    %lt3A = arith.constant 1.000000e+01 : f32
    %lt3A_110 = vector.broadcast %lt3A : f32 to vector<512x1xf32>
    %lt3A_111 = arith.cmpf olt, %broadcast_in_dim3A_84, %lt3A_110 : vector<512x1xf32>
    %ge3A = arith.constant 1.000000e+01 : f32
    %ge3A_112 = vector.broadcast %ge3A : f32 to vector<512x1xf32>
    %ge3A_113 = arith.cmpf oge, %add3A_109, %ge3A_112 : vector<512x1xf32>
    %and3A = arith.andi %lt3A_111, %ge3A_113 : vector<512x1xi1>
    %select_n3A_114 = arith.select %and3A, %broadcast_in_dim3A_88, %broadcast_in_dim3A_86 : vector<512x1xi1>, vector<512x1xf32>
    %reduce_min3A_115 = arith.constant dense<0x7F800000> : vector<512xf32>
    %reduce_min3A_116 = vector.multi_reduction <minimumf>, %select_n3A_99, %reduce_min3A_115 [1] : vector<512x512xf32> to vector<512xf32>
    %broadcast_in_dim3A_117 = vector.shape_cast %reduce_min3A_116 : vector<512xf32> to vector<512x1xf32>
    %eq3A_118 = vector.broadcast %broadcast_in_dim3A_117 : vector<512x1xf32> to vector<512x512xf32>
    %eq3A_119 = arith.cmpf oeq, %select_n3A_99, %eq3A_118 : vector<512x512xf32>
    %jit3A_120 = arith.constant 1.000000e+00 : f32
    %jit3A_121 = arith.constant 0.000000e+00 : f32
    %broadcast_in_dim3A_122 = vector.broadcast %jit3A_120 : f32 to vector<512x512xf32>
    %broadcast_in_dim3A_123 = vector.broadcast %jit3A_121 : f32 to vector<512x512xf32>
    %select_n3A_124 = arith.select %eq3A_119, %broadcast_in_dim3A_122, %broadcast_in_dim3A_123 : vector<512x512xi1>, vector<512x512xf32>
    %reduce_sum3A_125 = arith.constant dense<0.000000e+00> : vector<512xf32>
    %reduce_sum3A_126 = vector.multi_reduction <add>, %select_n3A_124, %reduce_sum3A_125 [1] : vector<512x512xf32> to vector<512xf32>
    %broadcast_in_dim3A_127 = vector.shape_cast %reduce_sum3A_126 : vector<512xf32> to vector<512x1xf32>
    %select_n3A_128 = arith.select %eq3A_119, %select_n3A_100, %select_n3A_99 : vector<512x512xi1>, vector<512x512xf32>
    %select_n3A_129 = arith.select %eq3A_119, %select_n3A_101, %select_n3A_100 : vector<512x512xi1>, vector<512x512xf32>
    %select_n3A_130 = arith.select %eq3A_119, %select_n3A_102, %select_n3A_101 : vector<512x512xi1>, vector<512x512xf32>
    %select_n3A_131 = arith.select %eq3A_119, %select_n3A_103, %select_n3A_102 : vector<512x512xi1>, vector<512x512xf32>
    %select_n3A_132 = arith.select %eq3A_119, %select_n3A_104, %select_n3A_103 : vector<512x512xi1>, vector<512x512xf32>
    %select_n3A_133 = arith.select %eq3A_119, %select_n3A_105, %select_n3A_104 : vector<512x512xi1>, vector<512x512xf32>
    %select_n3A_134 = arith.select %eq3A_119, %select_n3A_108, %select_n3A_105 : vector<512x512xi1>, vector<512x512xf32>
    %jit3A_135 = arith.constant 0x7F800000 : f32
    %broadcast_in_dim3A_136 = vector.broadcast %jit3A_135 : f32 to vector<512x512xf32>
    %select_n3A_137 = arith.select %eq3A_119, %broadcast_in_dim3A_136, %select_n3A_108 : vector<512x512xi1>, vector<512x512xf32>
    %add3A_138 = arith.addf %add3A_109, %broadcast_in_dim3A_127 : vector<512x1xf32>
    %lt3A_139 = arith.constant 1.000000e+01 : f32
    %lt3A_140 = vector.broadcast %lt3A_139 : f32 to vector<512x1xf32>
    %lt3A_141 = arith.cmpf olt, %add3A_109, %lt3A_140 : vector<512x1xf32>
    %ge3A_142 = arith.constant 1.000000e+01 : f32
    %ge3A_143 = vector.broadcast %ge3A_142 : f32 to vector<512x1xf32>
    %ge3A_144 = arith.cmpf oge, %add3A_138, %ge3A_143 : vector<512x1xf32>
    %and3A_145 = arith.andi %lt3A_141, %ge3A_144 : vector<512x1xi1>
    %select_n3A_146 = arith.select %and3A_145, %broadcast_in_dim3A_117, %select_n3A_114 : vector<512x1xi1>, vector<512x1xf32>
    %reduce_min3A_147 = arith.constant dense<0x7F800000> : vector<512xf32>
    %reduce_min3A_148 = vector.multi_reduction <minimumf>, %select_n3A_128, %reduce_min3A_147 [1] : vector<512x512xf32> to vector<512xf32>
    %broadcast_in_dim3A_149 = vector.shape_cast %reduce_min3A_148 : vector<512xf32> to vector<512x1xf32>
    %eq3A_150 = vector.broadcast %broadcast_in_dim3A_149 : vector<512x1xf32> to vector<512x512xf32>
    %eq3A_151 = arith.cmpf oeq, %select_n3A_128, %eq3A_150 : vector<512x512xf32>
    %jit3A_152 = arith.constant 1.000000e+00 : f32
    %jit3A_153 = arith.constant 0.000000e+00 : f32
    %broadcast_in_dim3A_154 = vector.broadcast %jit3A_152 : f32 to vector<512x512xf32>
    %broadcast_in_dim3A_155 = vector.broadcast %jit3A_153 : f32 to vector<512x512xf32>
    %select_n3A_156 = arith.select %eq3A_151, %broadcast_in_dim3A_154, %broadcast_in_dim3A_155 : vector<512x512xi1>, vector<512x512xf32>
    %reduce_sum3A_157 = arith.constant dense<0.000000e+00> : vector<512xf32>
    %reduce_sum3A_158 = vector.multi_reduction <add>, %select_n3A_156, %reduce_sum3A_157 [1] : vector<512x512xf32> to vector<512xf32>
    %broadcast_in_dim3A_159 = vector.shape_cast %reduce_sum3A_158 : vector<512xf32> to vector<512x1xf32>
    %select_n3A_160 = arith.select %eq3A_151, %select_n3A_129, %select_n3A_128 : vector<512x512xi1>, vector<512x512xf32>
    %select_n3A_161 = arith.select %eq3A_151, %select_n3A_130, %select_n3A_129 : vector<512x512xi1>, vector<512x512xf32>
    %select_n3A_162 = arith.select %eq3A_151, %select_n3A_131, %select_n3A_130 : vector<512x512xi1>, vector<512x512xf32>
    %select_n3A_163 = arith.select %eq3A_151, %select_n3A_132, %select_n3A_131 : vector<512x512xi1>, vector<512x512xf32>
    %select_n3A_164 = arith.select %eq3A_151, %select_n3A_133, %select_n3A_132 : vector<512x512xi1>, vector<512x512xf32>
    %select_n3A_165 = arith.select %eq3A_151, %select_n3A_134, %select_n3A_133 : vector<512x512xi1>, vector<512x512xf32>
    %select_n3A_166 = arith.select %eq3A_151, %select_n3A_137, %select_n3A_134 : vector<512x512xi1>, vector<512x512xf32>
    %add3A_167 = arith.addf %add3A_138, %broadcast_in_dim3A_159 : vector<512x1xf32>
    %lt3A_168 = arith.constant 1.000000e+01 : f32
    %lt3A_169 = vector.broadcast %lt3A_168 : f32 to vector<512x1xf32>
    %lt3A_170 = arith.cmpf olt, %add3A_138, %lt3A_169 : vector<512x1xf32>
    %ge3A_171 = arith.constant 1.000000e+01 : f32
    %ge3A_172 = vector.broadcast %ge3A_171 : f32 to vector<512x1xf32>
    %ge3A_173 = arith.cmpf oge, %add3A_167, %ge3A_172 : vector<512x1xf32>
    %and3A_174 = arith.andi %lt3A_170, %ge3A_173 : vector<512x1xi1>
    %select_n3A_175 = arith.select %and3A_174, %broadcast_in_dim3A_149, %select_n3A_146 : vector<512x1xi1>, vector<512x1xf32>
    %reduce_min3A_176 = arith.constant dense<0x7F800000> : vector<512xf32>
    %reduce_min3A_177 = vector.multi_reduction <minimumf>, %select_n3A_160, %reduce_min3A_176 [1] : vector<512x512xf32> to vector<512xf32>
    %broadcast_in_dim3A_178 = vector.shape_cast %reduce_min3A_177 : vector<512xf32> to vector<512x1xf32>
    %eq3A_179 = vector.broadcast %broadcast_in_dim3A_178 : vector<512x1xf32> to vector<512x512xf32>
    %eq3A_180 = arith.cmpf oeq, %select_n3A_160, %eq3A_179 : vector<512x512xf32>
    %jit3A_181 = arith.constant 1.000000e+00 : f32
    %jit3A_182 = arith.constant 0.000000e+00 : f32
    %broadcast_in_dim3A_183 = vector.broadcast %jit3A_181 : f32 to vector<512x512xf32>
    %broadcast_in_dim3A_184 = vector.broadcast %jit3A_182 : f32 to vector<512x512xf32>
    %select_n3A_185 = arith.select %eq3A_180, %broadcast_in_dim3A_183, %broadcast_in_dim3A_184 : vector<512x512xi1>, vector<512x512xf32>
    %reduce_sum3A_186 = arith.constant dense<0.000000e+00> : vector<512xf32>
    %reduce_sum3A_187 = vector.multi_reduction <add>, %select_n3A_185, %reduce_sum3A_186 [1] : vector<512x512xf32> to vector<512xf32>
    %broadcast_in_dim3A_188 = vector.shape_cast %reduce_sum3A_187 : vector<512xf32> to vector<512x1xf32>
    %select_n3A_189 = arith.select %eq3A_180, %select_n3A_161, %select_n3A_160 : vector<512x512xi1>, vector<512x512xf32>
    %select_n3A_190 = arith.select %eq3A_180, %select_n3A_162, %select_n3A_161 : vector<512x512xi1>, vector<512x512xf32>
    %select_n3A_191 = arith.select %eq3A_180, %select_n3A_163, %select_n3A_162 : vector<512x512xi1>, vector<512x512xf32>
    %select_n3A_192 = arith.select %eq3A_180, %select_n3A_164, %select_n3A_163 : vector<512x512xi1>, vector<512x512xf32>
    %select_n3A_193 = arith.select %eq3A_180, %select_n3A_165, %select_n3A_164 : vector<512x512xi1>, vector<512x512xf32>
    %select_n3A_194 = arith.select %eq3A_180, %select_n3A_166, %select_n3A_165 : vector<512x512xi1>, vector<512x512xf32>
    %add3A_195 = arith.addf %add3A_167, %broadcast_in_dim3A_188 : vector<512x1xf32>
    %lt3A_196 = arith.constant 1.000000e+01 : f32
    %lt3A_197 = vector.broadcast %lt3A_196 : f32 to vector<512x1xf32>
    %lt3A_198 = arith.cmpf olt, %add3A_167, %lt3A_197 : vector<512x1xf32>
    %ge3A_199 = arith.constant 1.000000e+01 : f32
    %ge3A_200 = vector.broadcast %ge3A_199 : f32 to vector<512x1xf32>
    %ge3A_201 = arith.cmpf oge, %add3A_195, %ge3A_200 : vector<512x1xf32>
    %and3A_202 = arith.andi %lt3A_198, %ge3A_201 : vector<512x1xi1>
    %select_n3A_203 = arith.select %and3A_202, %broadcast_in_dim3A_178, %select_n3A_175 : vector<512x1xi1>, vector<512x1xf32>
    %reduce_min3A_204 = arith.constant dense<0x7F800000> : vector<512xf32>
    %reduce_min3A_205 = vector.multi_reduction <minimumf>, %select_n3A_189, %reduce_min3A_204 [1] : vector<512x512xf32> to vector<512xf32>
    %broadcast_in_dim3A_206 = vector.shape_cast %reduce_min3A_205 : vector<512xf32> to vector<512x1xf32>
    %eq3A_207 = vector.broadcast %broadcast_in_dim3A_206 : vector<512x1xf32> to vector<512x512xf32>
    %eq3A_208 = arith.cmpf oeq, %select_n3A_189, %eq3A_207 : vector<512x512xf32>
    %jit3A_209 = arith.constant 1.000000e+00 : f32
    %jit3A_210 = arith.constant 0.000000e+00 : f32
    %broadcast_in_dim3A_211 = vector.broadcast %jit3A_209 : f32 to vector<512x512xf32>
    %broadcast_in_dim3A_212 = vector.broadcast %jit3A_210 : f32 to vector<512x512xf32>
    %select_n3A_213 = arith.select %eq3A_208, %broadcast_in_dim3A_211, %broadcast_in_dim3A_212 : vector<512x512xi1>, vector<512x512xf32>
    %reduce_sum3A_214 = arith.constant dense<0.000000e+00> : vector<512xf32>
    %reduce_sum3A_215 = vector.multi_reduction <add>, %select_n3A_213, %reduce_sum3A_214 [1] : vector<512x512xf32> to vector<512xf32>
    %broadcast_in_dim3A_216 = vector.shape_cast %reduce_sum3A_215 : vector<512xf32> to vector<512x1xf32>
    %select_n3A_217 = arith.select %eq3A_208, %select_n3A_190, %select_n3A_189 : vector<512x512xi1>, vector<512x512xf32>
    %select_n3A_218 = arith.select %eq3A_208, %select_n3A_191, %select_n3A_190 : vector<512x512xi1>, vector<512x512xf32>
    %select_n3A_219 = arith.select %eq3A_208, %select_n3A_192, %select_n3A_191 : vector<512x512xi1>, vector<512x512xf32>
    %select_n3A_220 = arith.select %eq3A_208, %select_n3A_193, %select_n3A_192 : vector<512x512xi1>, vector<512x512xf32>
    %select_n3A_221 = arith.select %eq3A_208, %select_n3A_194, %select_n3A_193 : vector<512x512xi1>, vector<512x512xf32>
    %add3A_222 = arith.addf %add3A_195, %broadcast_in_dim3A_216 : vector<512x1xf32>
    %lt3A_223 = arith.constant 1.000000e+01 : f32
    %lt3A_224 = vector.broadcast %lt3A_223 : f32 to vector<512x1xf32>
    %lt3A_225 = arith.cmpf olt, %add3A_195, %lt3A_224 : vector<512x1xf32>
    %ge3A_226 = arith.constant 1.000000e+01 : f32
    %ge3A_227 = vector.broadcast %ge3A_226 : f32 to vector<512x1xf32>
    %ge3A_228 = arith.cmpf oge, %add3A_222, %ge3A_227 : vector<512x1xf32>
    %and3A_229 = arith.andi %lt3A_225, %ge3A_228 : vector<512x1xi1>
    %select_n3A_230 = arith.select %and3A_229, %broadcast_in_dim3A_206, %select_n3A_203 : vector<512x1xi1>, vector<512x1xf32>
    %reduce_min3A_231 = arith.constant dense<0x7F800000> : vector<512xf32>
    %reduce_min3A_232 = vector.multi_reduction <minimumf>, %select_n3A_217, %reduce_min3A_231 [1] : vector<512x512xf32> to vector<512xf32>
    %broadcast_in_dim3A_233 = vector.shape_cast %reduce_min3A_232 : vector<512xf32> to vector<512x1xf32>
    %eq3A_234 = vector.broadcast %broadcast_in_dim3A_233 : vector<512x1xf32> to vector<512x512xf32>
    %eq3A_235 = arith.cmpf oeq, %select_n3A_217, %eq3A_234 : vector<512x512xf32>
    %jit3A_236 = arith.constant 1.000000e+00 : f32
    %jit3A_237 = arith.constant 0.000000e+00 : f32
    %broadcast_in_dim3A_238 = vector.broadcast %jit3A_236 : f32 to vector<512x512xf32>
    %broadcast_in_dim3A_239 = vector.broadcast %jit3A_237 : f32 to vector<512x512xf32>
    %select_n3A_240 = arith.select %eq3A_235, %broadcast_in_dim3A_238, %broadcast_in_dim3A_239 : vector<512x512xi1>, vector<512x512xf32>
    %reduce_sum3A_241 = arith.constant dense<0.000000e+00> : vector<512xf32>
    %reduce_sum3A_242 = vector.multi_reduction <add>, %select_n3A_240, %reduce_sum3A_241 [1] : vector<512x512xf32> to vector<512xf32>
    %broadcast_in_dim3A_243 = vector.shape_cast %reduce_sum3A_242 : vector<512xf32> to vector<512x1xf32>
    %select_n3A_244 = arith.select %eq3A_235, %select_n3A_218, %select_n3A_217 : vector<512x512xi1>, vector<512x512xf32>
    %select_n3A_245 = arith.select %eq3A_235, %select_n3A_219, %select_n3A_218 : vector<512x512xi1>, vector<512x512xf32>
    %select_n3A_246 = arith.select %eq3A_235, %select_n3A_220, %select_n3A_219 : vector<512x512xi1>, vector<512x512xf32>
    %select_n3A_247 = arith.select %eq3A_235, %select_n3A_221, %select_n3A_220 : vector<512x512xi1>, vector<512x512xf32>
    %add3A_248 = arith.addf %add3A_222, %broadcast_in_dim3A_243 : vector<512x1xf32>
    %lt3A_249 = arith.constant 1.000000e+01 : f32
    %lt3A_250 = vector.broadcast %lt3A_249 : f32 to vector<512x1xf32>
    %lt3A_251 = arith.cmpf olt, %add3A_222, %lt3A_250 : vector<512x1xf32>
    %ge3A_252 = arith.constant 1.000000e+01 : f32
    %ge3A_253 = vector.broadcast %ge3A_252 : f32 to vector<512x1xf32>
    %ge3A_254 = arith.cmpf oge, %add3A_248, %ge3A_253 : vector<512x1xf32>
    %and3A_255 = arith.andi %lt3A_251, %ge3A_254 : vector<512x1xi1>
    %select_n3A_256 = arith.select %and3A_255, %broadcast_in_dim3A_233, %select_n3A_230 : vector<512x1xi1>, vector<512x1xf32>
    %reduce_min3A_257 = arith.constant dense<0x7F800000> : vector<512xf32>
    %reduce_min3A_258 = vector.multi_reduction <minimumf>, %select_n3A_244, %reduce_min3A_257 [1] : vector<512x512xf32> to vector<512xf32>
    %broadcast_in_dim3A_259 = vector.shape_cast %reduce_min3A_258 : vector<512xf32> to vector<512x1xf32>
    %eq3A_260 = vector.broadcast %broadcast_in_dim3A_259 : vector<512x1xf32> to vector<512x512xf32>
    %eq3A_261 = arith.cmpf oeq, %select_n3A_244, %eq3A_260 : vector<512x512xf32>
    %jit3A_262 = arith.constant 1.000000e+00 : f32
    %jit3A_263 = arith.constant 0.000000e+00 : f32
    %broadcast_in_dim3A_264 = vector.broadcast %jit3A_262 : f32 to vector<512x512xf32>
    %broadcast_in_dim3A_265 = vector.broadcast %jit3A_263 : f32 to vector<512x512xf32>
    %select_n3A_266 = arith.select %eq3A_261, %broadcast_in_dim3A_264, %broadcast_in_dim3A_265 : vector<512x512xi1>, vector<512x512xf32>
    %reduce_sum3A_267 = arith.constant dense<0.000000e+00> : vector<512xf32>
    %reduce_sum3A_268 = vector.multi_reduction <add>, %select_n3A_266, %reduce_sum3A_267 [1] : vector<512x512xf32> to vector<512xf32>
    %broadcast_in_dim3A_269 = vector.shape_cast %reduce_sum3A_268 : vector<512xf32> to vector<512x1xf32>
    %select_n3A_270 = arith.select %eq3A_261, %select_n3A_245, %select_n3A_244 : vector<512x512xi1>, vector<512x512xf32>
    %select_n3A_271 = arith.select %eq3A_261, %select_n3A_246, %select_n3A_245 : vector<512x512xi1>, vector<512x512xf32>
    %select_n3A_272 = arith.select %eq3A_261, %select_n3A_247, %select_n3A_246 : vector<512x512xi1>, vector<512x512xf32>
    %add3A_273 = arith.addf %add3A_248, %broadcast_in_dim3A_269 : vector<512x1xf32>
    %lt3A_274 = arith.constant 1.000000e+01 : f32
    %lt3A_275 = vector.broadcast %lt3A_274 : f32 to vector<512x1xf32>
    %lt3A_276 = arith.cmpf olt, %add3A_248, %lt3A_275 : vector<512x1xf32>
    %ge3A_277 = arith.constant 1.000000e+01 : f32
    %ge3A_278 = vector.broadcast %ge3A_277 : f32 to vector<512x1xf32>
    %ge3A_279 = arith.cmpf oge, %add3A_273, %ge3A_278 : vector<512x1xf32>
    %and3A_280 = arith.andi %lt3A_276, %ge3A_279 : vector<512x1xi1>
    %select_n3A_281 = arith.select %and3A_280, %broadcast_in_dim3A_259, %select_n3A_256 : vector<512x1xi1>, vector<512x1xf32>
    %reduce_min3A_282 = arith.constant dense<0x7F800000> : vector<512xf32>
    %reduce_min3A_283 = vector.multi_reduction <minimumf>, %select_n3A_270, %reduce_min3A_282 [1] : vector<512x512xf32> to vector<512xf32>
    %broadcast_in_dim3A_284 = vector.shape_cast %reduce_min3A_283 : vector<512xf32> to vector<512x1xf32>
    %eq3A_285 = vector.broadcast %broadcast_in_dim3A_284 : vector<512x1xf32> to vector<512x512xf32>
    %eq3A_286 = arith.cmpf oeq, %select_n3A_270, %eq3A_285 : vector<512x512xf32>
    %jit3A_287 = arith.constant 1.000000e+00 : f32
    %jit3A_288 = arith.constant 0.000000e+00 : f32
    %broadcast_in_dim3A_289 = vector.broadcast %jit3A_287 : f32 to vector<512x512xf32>
    %broadcast_in_dim3A_290 = vector.broadcast %jit3A_288 : f32 to vector<512x512xf32>
    %select_n3A_291 = arith.select %eq3A_286, %broadcast_in_dim3A_289, %broadcast_in_dim3A_290 : vector<512x512xi1>, vector<512x512xf32>
    %reduce_sum3A_292 = arith.constant dense<0.000000e+00> : vector<512xf32>
    %reduce_sum3A_293 = vector.multi_reduction <add>, %select_n3A_291, %reduce_sum3A_292 [1] : vector<512x512xf32> to vector<512xf32>
    %broadcast_in_dim3A_294 = vector.shape_cast %reduce_sum3A_293 : vector<512xf32> to vector<512x1xf32>
    %select_n3A_295 = arith.select %eq3A_286, %select_n3A_271, %select_n3A_270 : vector<512x512xi1>, vector<512x512xf32>
    %select_n3A_296 = arith.select %eq3A_286, %select_n3A_272, %select_n3A_271 : vector<512x512xi1>, vector<512x512xf32>
    %add3A_297 = arith.addf %add3A_273, %broadcast_in_dim3A_294 : vector<512x1xf32>
    %lt3A_298 = arith.constant 1.000000e+01 : f32
    %lt3A_299 = vector.broadcast %lt3A_298 : f32 to vector<512x1xf32>
    %lt3A_300 = arith.cmpf olt, %add3A_273, %lt3A_299 : vector<512x1xf32>
    %ge3A_301 = arith.constant 1.000000e+01 : f32
    %ge3A_302 = vector.broadcast %ge3A_301 : f32 to vector<512x1xf32>
    %ge3A_303 = arith.cmpf oge, %add3A_297, %ge3A_302 : vector<512x1xf32>
    %and3A_304 = arith.andi %lt3A_300, %ge3A_303 : vector<512x1xi1>
    %select_n3A_305 = arith.select %and3A_304, %broadcast_in_dim3A_284, %select_n3A_281 : vector<512x1xi1>, vector<512x1xf32>
    %reduce_min3A_306 = arith.constant dense<0x7F800000> : vector<512xf32>
    %reduce_min3A_307 = vector.multi_reduction <minimumf>, %select_n3A_295, %reduce_min3A_306 [1] : vector<512x512xf32> to vector<512xf32>
    %broadcast_in_dim3A_308 = vector.shape_cast %reduce_min3A_307 : vector<512xf32> to vector<512x1xf32>
    %eq3A_309 = vector.broadcast %broadcast_in_dim3A_308 : vector<512x1xf32> to vector<512x512xf32>
    %eq3A_310 = arith.cmpf oeq, %select_n3A_295, %eq3A_309 : vector<512x512xf32>
    %jit3A_311 = arith.constant 1.000000e+00 : f32
    %jit3A_312 = arith.constant 0.000000e+00 : f32
    %broadcast_in_dim3A_313 = vector.broadcast %jit3A_311 : f32 to vector<512x512xf32>
    %broadcast_in_dim3A_314 = vector.broadcast %jit3A_312 : f32 to vector<512x512xf32>
    %select_n3A_315 = arith.select %eq3A_310, %broadcast_in_dim3A_313, %broadcast_in_dim3A_314 : vector<512x512xi1>, vector<512x512xf32>
    %reduce_sum3A_316 = arith.constant dense<0.000000e+00> : vector<512xf32>
    %reduce_sum3A_317 = vector.multi_reduction <add>, %select_n3A_315, %reduce_sum3A_316 [1] : vector<512x512xf32> to vector<512xf32>
    %broadcast_in_dim3A_318 = vector.shape_cast %reduce_sum3A_317 : vector<512xf32> to vector<512x1xf32>
    %select_n3A_319 = arith.select %eq3A_310, %select_n3A_296, %select_n3A_295 : vector<512x512xi1>, vector<512x512xf32>
    %add3A_320 = arith.addf %add3A_297, %broadcast_in_dim3A_318 : vector<512x1xf32>
    %lt3A_321 = arith.constant 1.000000e+01 : f32
    %lt3A_322 = vector.broadcast %lt3A_321 : f32 to vector<512x1xf32>
    %lt3A_323 = arith.cmpf olt, %add3A_297, %lt3A_322 : vector<512x1xf32>
    %ge3A_324 = arith.constant 1.000000e+01 : f32
    %ge3A_325 = vector.broadcast %ge3A_324 : f32 to vector<512x1xf32>
    %ge3A_326 = arith.cmpf oge, %add3A_320, %ge3A_325 : vector<512x1xf32>
    %and3A_327 = arith.andi %lt3A_323, %ge3A_326 : vector<512x1xi1>
    %select_n3A_328 = arith.select %and3A_327, %broadcast_in_dim3A_308, %select_n3A_305 : vector<512x1xi1>, vector<512x1xf32>
    %reduce_min3A_329 = arith.constant dense<0x7F800000> : vector<512xf32>
    %reduce_min3A_330 = vector.multi_reduction <minimumf>, %select_n3A_319, %reduce_min3A_329 [1] : vector<512x512xf32> to vector<512xf32>
    %broadcast_in_dim3A_331 = vector.shape_cast %reduce_min3A_330 : vector<512xf32> to vector<512x1xf32>
    %eq3A_332 = vector.broadcast %broadcast_in_dim3A_331 : vector<512x1xf32> to vector<512x512xf32>
    %eq3A_333 = arith.cmpf oeq, %select_n3A_319, %eq3A_332 : vector<512x512xf32>
    %jit3A_334 = arith.constant 1.000000e+00 : f32
    %jit3A_335 = arith.constant 0.000000e+00 : f32
    %broadcast_in_dim3A_336 = vector.broadcast %jit3A_334 : f32 to vector<512x512xf32>
    %broadcast_in_dim3A_337 = vector.broadcast %jit3A_335 : f32 to vector<512x512xf32>
    %select_n3A_338 = arith.select %eq3A_333, %broadcast_in_dim3A_336, %broadcast_in_dim3A_337 : vector<512x512xi1>, vector<512x512xf32>
    %reduce_sum3A_339 = arith.constant dense<0.000000e+00> : vector<512xf32>
    %reduce_sum3A_340 = vector.multi_reduction <add>, %select_n3A_338, %reduce_sum3A_339 [1] : vector<512x512xf32> to vector<512xf32>
    %broadcast_in_dim3A_341 = vector.shape_cast %reduce_sum3A_340 : vector<512xf32> to vector<512x1xf32>
    %add3A_342 = arith.addf %add3A_320, %broadcast_in_dim3A_341 : vector<512x1xf32>
    %lt3A_343 = arith.constant 1.000000e+01 : f32
    %lt3A_344 = vector.broadcast %lt3A_343 : f32 to vector<512x1xf32>
    %lt3A_345 = arith.cmpf olt, %add3A_320, %lt3A_344 : vector<512x1xf32>
    %ge3A_346 = arith.constant 1.000000e+01 : f32
    %ge3A_347 = vector.broadcast %ge3A_346 : f32 to vector<512x1xf32>
    %ge3A_348 = arith.cmpf oge, %add3A_342, %ge3A_347 : vector<512x1xf32>
    %and3A_349 = arith.andi %lt3A_345, %ge3A_348 : vector<512x1xi1>
    %select_n3A_350 = arith.select %and3A_349, %broadcast_in_dim3A_331, %select_n3A_328 : vector<512x1xi1>, vector<512x1xf32>
    %swap3A_351 = arith.constant 0 : index
    %swap3A_352 = arith.constant 0 : index
    %swap3A_353 = vector.load %arg4[%swap3A_351, %swap3A_352] : memref<512x1xf32, #tpu.memory_space<vmem>>, vector<512x1xf32>
    tpu.vector_store %arg4[%swap3A_351, %swap3A_352], %select_n3A_350 {strides = array<i32>} : memref<512x1xf32, #tpu.memory_space<vmem>>, vector<512x1xf32>,
    return
  }
}

module attributes {stable_mosaic.version = 14 : i64} {
  func.func @_tc2_body(%arg0: i32, %arg1: memref<4096x128xf32, #tpu.memory_space<vmem>>, %arg2: memref<128x4096xf32, #tpu.memory_space<vmem>>, %arg3: memref<4096x128xf32, #tpu.memory_space<vmem>>, %arg4: memref<1x4096xf32, #tpu.memory_space<vmem>>, %arg5: memref<512x128xf32, #tpu.memory_space<vmem>>) attributes {dimension_semantics = [#tpu.dimension_semantics<arbitrary>], iteration_bounds = array<i64: 7>, scalar_prefetch = 0 : i64, scratch_operands = 0 : i64, tpu.core_type = #tpu.core_type<tc>, window_params = [{pipeline_mode = #tpu.pipeline_mode<synchronous>, transform_indices = @transform_0, window_bounds = array<i64: 4096, 128>}, {pipeline_mode = #tpu.pipeline_mode<synchronous>, transform_indices = @transform_1, window_bounds = array<i64: 128, 4096>}, {pipeline_mode = #tpu.pipeline_mode<synchronous>, transform_indices = @transform_2, window_bounds = array<i64: 4096, 128>}, {pipeline_mode = #tpu.pipeline_mode<synchronous>, transform_indices = @transform_3, window_bounds = array<i64: 1, 4096>}, {transform_indices = @transform_4, window_bounds = array<i64: 512, 128>}]} {
    %get3A = arith.constant 0 : index
    %get3A_0 = arith.constant 0 : index
    %get3A_1 = vector.load %arg4[%get3A, %get3A_0] : memref<1x4096xf32, #tpu.memory_space<vmem>>, vector<1x4096xf32>
    %mul3A = arith.constant 512 : i32
    %mul3A_2 = arith.muli %arg0, %mul3A : i32
    %get3A_3 = arith.index_cast %mul3A_2 : i32 to index
    %get3A_4 = arith.constant 0 : index
    %get3A_5 = vector.load %arg1[%get3A_3, %get3A_4] : memref<4096x128xf32, #tpu.memory_space<vmem>>, vector<512x128xf32>
    %mul3A_6 = arith.mulf %get3A_5, %get3A_5 : vector<512x128xf32>
    %reduce_sum3A = arith.constant dense<0.000000e+00> : vector<512xf32>
    %reduce_sum3A_7 = vector.multi_reduction <add>, %mul3A_6, %reduce_sum3A [1] : vector<512x128xf32> to vector<512xf32>
    %broadcast_in_dim3A = vector.shape_cast %reduce_sum3A_7 : vector<512xf32> to vector<512x1xf32>
    %get3A_8 = arith.constant 0 : index
    %get3A_9 = arith.constant 0 : index
    %get3A_10 = vector.load %arg2[%get3A_8, %get3A_9] : memref<128x4096xf32, #tpu.memory_space<vmem>>, vector<128x4096xf32>
    %dot_general3A = arith.constant dense<0.000000e+00> : vector<512x4096xf32>
    %dot_general3A_11 = tpu.matmul %get3A_5, %get3A_10, %dot_general3A {dimension_numbers = #tpu.dot_dimension_numbers<[1], [0], [0], [1], [0, 0, 1, 1], [], []>, transpose_lhs_hint = false} : vector<512x128xf32>, vector<128x4096xf32>, vector<512x4096xf32> -> vector<512x4096xf32>
    %add3A = vector.broadcast %broadcast_in_dim3A : vector<512x1xf32> to vector<512x4096xf32>
    %add3A_12 = vector.broadcast %get3A_1 : vector<1x4096xf32> to vector<512x4096xf32>
    %add3A_13 = arith.addf %add3A, %add3A_12 : vector<512x4096xf32>
    %mul3A_14 = arith.constant 2.000000e+00 : f32
    %mul3A_15 = vector.broadcast %mul3A_14 : f32 to vector<512x4096xf32>
    %mul3A_16 = arith.mulf %mul3A_15, %dot_general3A_11 : vector<512x4096xf32>
    %sub3A = arith.subf %add3A_13, %mul3A_16 : vector<512x4096xf32>
    %iota3A = tpu.iota {dimensions = array<i32: 0>} : vector<512x4096xi32>
    %add3A_17 = vector.broadcast %mul3A_2 : i32 to vector<512x4096xi32>
    %add3A_18 = arith.addi %add3A_17, %iota3A : vector<512x4096xi32>
    %iota3A_19 = tpu.iota {dimensions = array<i32: 1>} : vector<512x4096xi32>
    %eq3A = arith.cmpi eq, %add3A_18, %iota3A_19 : vector<512x4096xi32>
    %jit3A = arith.constant 0x7F800000 : f32
    %broadcast_in_dim3A_20 = vector.broadcast %jit3A : f32 to vector<512x4096xf32>
    %select_n3A = arith.select %eq3A, %broadcast_in_dim3A_20, %sub3A : vector<512x4096xi1>, vector<512x4096xf32>
    %slice3A = vector.extract_strided_slice %select_n3A {offsets = [0, 0], sizes = [512, 512], strides = [1, 1]} : vector<512x4096xf32> to vector<512x512xf32>
    %slice3A_21 = vector.extract_strided_slice %select_n3A {offsets = [0, 512], sizes = [512, 512], strides = [1, 1]} : vector<512x4096xf32> to vector<512x512xf32>
    %slice3A_22 = vector.extract_strided_slice %select_n3A {offsets = [0, 1024], sizes = [512, 512], strides = [1, 1]} : vector<512x4096xf32> to vector<512x512xf32>
    %slice3A_23 = vector.extract_strided_slice %select_n3A {offsets = [0, 1536], sizes = [512, 512], strides = [1, 1]} : vector<512x4096xf32> to vector<512x512xf32>
    %slice3A_24 = vector.extract_strided_slice %select_n3A {offsets = [0, 2048], sizes = [512, 512], strides = [1, 1]} : vector<512x4096xf32> to vector<512x512xf32>
    %slice3A_25 = vector.extract_strided_slice %select_n3A {offsets = [0, 2560], sizes = [512, 512], strides = [1, 1]} : vector<512x4096xf32> to vector<512x512xf32>
    %slice3A_26 = vector.extract_strided_slice %select_n3A {offsets = [0, 3072], sizes = [512, 512], strides = [1, 1]} : vector<512x4096xf32> to vector<512x512xf32>
    %slice3A_27 = vector.extract_strided_slice %select_n3A {offsets = [0, 3584], sizes = [512, 512], strides = [1, 1]} : vector<512x4096xf32> to vector<512x512xf32>
    %min3A = arith.minimumf %slice3A, %slice3A_21 : vector<512x512xf32>
    %max3A = arith.maximumf %slice3A, %slice3A_21 : vector<512x512xf32>
    %min3A_28 = arith.minimumf %slice3A_22, %slice3A_23 : vector<512x512xf32>
    %max3A_29 = arith.maximumf %slice3A_22, %slice3A_23 : vector<512x512xf32>
    %min3A_30 = arith.minimumf %min3A, %min3A_28 : vector<512x512xf32>
    %max3A_31 = arith.maximumf %min3A, %min3A_28 : vector<512x512xf32>
    %min3A_32 = arith.minimumf %max3A, %max3A_29 : vector<512x512xf32>
    %max3A_33 = arith.maximumf %max3A, %max3A_29 : vector<512x512xf32>
    %min3A_34 = arith.minimumf %min3A_32, %max3A_31 : vector<512x512xf32>
    %max3A_35 = arith.maximumf %min3A_32, %max3A_31 : vector<512x512xf32>
    %min3A_36 = arith.minimumf %slice3A_24, %slice3A_25 : vector<512x512xf32>
    %max3A_37 = arith.maximumf %slice3A_24, %slice3A_25 : vector<512x512xf32>
    %min3A_38 = arith.minimumf %slice3A_26, %slice3A_27 : vector<512x512xf32>
    %max3A_39 = arith.maximumf %slice3A_26, %slice3A_27 : vector<512x512xf32>
    %min3A_40 = arith.minimumf %min3A_36, %min3A_38 : vector<512x512xf32>
    %max3A_41 = arith.maximumf %min3A_36, %min3A_38 : vector<512x512xf32>
    %min3A_42 = arith.minimumf %max3A_37, %max3A_39 : vector<512x512xf32>
    %max3A_43 = arith.maximumf %max3A_37, %max3A_39 : vector<512x512xf32>
    %min3A_44 = arith.minimumf %min3A_42, %max3A_41 : vector<512x512xf32>
    %max3A_45 = arith.maximumf %min3A_42, %max3A_41 : vector<512x512xf32>
    %min3A_46 = arith.minimumf %min3A_30, %min3A_40 : vector<512x512xf32>
    %max3A_47 = arith.maximumf %min3A_30, %min3A_40 : vector<512x512xf32>
    %min3A_48 = arith.minimumf %min3A_34, %min3A_44 : vector<512x512xf32>
    %max3A_49 = arith.maximumf %min3A_34, %min3A_44 : vector<512x512xf32>
    %min3A_50 = arith.minimumf %max3A_35, %max3A_45 : vector<512x512xf32>
    %max3A_51 = arith.maximumf %max3A_35, %max3A_45 : vector<512x512xf32>
    %min3A_52 = arith.minimumf %max3A_33, %max3A_43 : vector<512x512xf32>
    %max3A_53 = arith.maximumf %max3A_33, %max3A_43 : vector<512x512xf32>
    %min3A_54 = arith.minimumf %min3A_50, %max3A_47 : vector<512x512xf32>
    %max3A_55 = arith.maximumf %min3A_50, %max3A_47 : vector<512x512xf32>
    %min3A_56 = arith.minimumf %min3A_52, %max3A_49 : vector<512x512xf32>
    %max3A_57 = arith.maximumf %min3A_52, %max3A_49 : vector<512x512xf32>
    %min3A_58 = arith.minimumf %min3A_48, %min3A_54 : vector<512x512xf32>
    %max3A_59 = arith.maximumf %min3A_48, %min3A_54 : vector<512x512xf32>
    %min3A_60 = arith.minimumf %min3A_56, %max3A_55 : vector<512x512xf32>
    %max3A_61 = arith.maximumf %min3A_56, %max3A_55 : vector<512x512xf32>
    %min3A_62 = arith.minimumf %max3A_57, %max3A_51 : vector<512x512xf32>
    %max3A_63 = arith.maximumf %max3A_57, %max3A_51 : vector<512x512xf32>
    %broadcast_in_dim3A_64 = arith.constant 0.000000e+00 : f32
    %broadcast_in_dim3A_65 = vector.broadcast %broadcast_in_dim3A_64 : f32 to vector<512x1xf32>
    %broadcast_in_dim3A_66 = arith.constant 0.000000e+00 : f32
    %broadcast_in_dim3A_67 = vector.broadcast %broadcast_in_dim3A_66 : f32 to vector<512x1xf32>
    %broadcast_in_dim3A_68 = arith.constant 0.000000e+00 : f32
    %broadcast_in_dim3A_69 = vector.broadcast %broadcast_in_dim3A_68 : f32 to vector<512x1xf32>
    %broadcast_in_dim3A_70 = arith.constant 0.000000e+00 : f32
    %broadcast_in_dim3A_71 = vector.broadcast %broadcast_in_dim3A_70 : f32 to vector<512x1xf32>
    %neg3A = arith.constant 0.000000e+00 : f32
    %neg3A_72 = arith.constant 0x7F800000 : f32
    %neg3A_73 = arith.subf %neg3A, %neg3A_72 : f32
    %broadcast_in_dim3A_74 = vector.broadcast %neg3A_73 : f32 to vector<512x1xf32>
    %reduce_min3A = arith.constant dense<0x7F800000> : vector<512xf32>
    %reduce_min3A_75 = vector.multi_reduction <minimumf>, %min3A_46, %reduce_min3A [1] : vector<512x512xf32> to vector<512xf32>
    %broadcast_in_dim3A_76 = vector.shape_cast %reduce_min3A_75 : vector<512xf32> to vector<512x1xf32>
    %eq3A_77 = vector.broadcast %broadcast_in_dim3A_76 : vector<512x1xf32> to vector<512x512xf32>
    %eq3A_78 = arith.cmpf oeq, %min3A_46, %eq3A_77 : vector<512x512xf32>
    %jit3A_79 = arith.constant 1.000000e+00 : f32
    %jit3A_80 = arith.constant 0.000000e+00 : f32
    %broadcast_in_dim3A_81 = vector.broadcast %jit3A_79 : f32 to vector<512x512xf32>
    %broadcast_in_dim3A_82 = vector.broadcast %jit3A_80 : f32 to vector<512x512xf32>
    %select_n3A_83 = arith.select %eq3A_78, %broadcast_in_dim3A_81, %broadcast_in_dim3A_82 : vector<512x512xi1>, vector<512x512xf32>
    %reduce_sum3A_84 = arith.constant dense<0.000000e+00> : vector<512xf32>
    %reduce_sum3A_85 = vector.multi_reduction <add>, %select_n3A_83, %reduce_sum3A_84 [1] : vector<512x512xf32> to vector<512xf32>
    %broadcast_in_dim3A_86 = vector.shape_cast %reduce_sum3A_85 : vector<512xf32> to vector<512x1xf32>
    %select_n3A_87 = arith.select %eq3A_78, %min3A_58, %min3A_46 : vector<512x512xi1>, vector<512x512xf32>
    %select_n3A_88 = arith.select %eq3A_78, %max3A_59, %min3A_58 : vector<512x512xi1>, vector<512x512xf32>
    %select_n3A_89 = arith.select %eq3A_78, %min3A_60, %max3A_59 : vector<512x512xi1>, vector<512x512xf32>
    %select_n3A_90 = arith.select %eq3A_78, %max3A_61, %min3A_60 : vector<512x512xi1>, vector<512x512xf32>
    %select_n3A_91 = arith.select %eq3A_78, %min3A_62, %max3A_61 : vector<512x512xi1>, vector<512x512xf32>
    %select_n3A_92 = arith.select %eq3A_78, %max3A_63, %min3A_62 : vector<512x512xi1>, vector<512x512xf32>
    %select_n3A_93 = arith.select %eq3A_78, %max3A_53, %max3A_63 : vector<512x512xi1>, vector<512x512xf32>
    %jit3A_94 = arith.constant 0x7F800000 : f32
    %broadcast_in_dim3A_95 = vector.broadcast %jit3A_94 : f32 to vector<512x512xf32>
    %select_n3A_96 = arith.select %eq3A_78, %broadcast_in_dim3A_95, %max3A_53 : vector<512x512xi1>, vector<512x512xf32>
    %gt3A = arith.cmpf ogt, %broadcast_in_dim3A_76, %broadcast_in_dim3A_74 : vector<512x1xf32>
    %select_n3A_97 = arith.select %gt3A, %broadcast_in_dim3A_65, %broadcast_in_dim3A_71 : vector<512x1xi1>, vector<512x1xf32>
    %add3A_98 = arith.addf %broadcast_in_dim3A_65, %broadcast_in_dim3A_86 : vector<512x1xf32>
    %lt3A = arith.constant 1.000000e+01 : f32
    %lt3A_99 = vector.broadcast %lt3A : f32 to vector<512x1xf32>
    %lt3A_100 = arith.cmpf olt, %broadcast_in_dim3A_65, %lt3A_99 : vector<512x1xf32>
    %ge3A = arith.constant 1.000000e+01 : f32
    %ge3A_101 = vector.broadcast %ge3A : f32 to vector<512x1xf32>
    %ge3A_102 = arith.cmpf oge, %add3A_98, %ge3A_101 : vector<512x1xf32>
    %and3A = arith.andi %lt3A_100, %ge3A_102 : vector<512x1xi1>
    %select_n3A_103 = arith.select %and3A, %broadcast_in_dim3A_76, %broadcast_in_dim3A_67 : vector<512x1xi1>, vector<512x1xf32>
    %select_n3A_104 = arith.select %and3A, %select_n3A_97, %broadcast_in_dim3A_69 : vector<512x1xi1>, vector<512x1xf32>
    %reduce_min3A_105 = arith.constant dense<0x7F800000> : vector<512xf32>
    %reduce_min3A_106 = vector.multi_reduction <minimumf>, %select_n3A_87, %reduce_min3A_105 [1] : vector<512x512xf32> to vector<512xf32>
    %broadcast_in_dim3A_107 = vector.shape_cast %reduce_min3A_106 : vector<512xf32> to vector<512x1xf32>
    %eq3A_108 = vector.broadcast %broadcast_in_dim3A_107 : vector<512x1xf32> to vector<512x512xf32>
    %eq3A_109 = arith.cmpf oeq, %select_n3A_87, %eq3A_108 : vector<512x512xf32>
    %jit3A_110 = arith.constant 1.000000e+00 : f32
    %jit3A_111 = arith.constant 0.000000e+00 : f32
    %broadcast_in_dim3A_112 = vector.broadcast %jit3A_110 : f32 to vector<512x512xf32>
    %broadcast_in_dim3A_113 = vector.broadcast %jit3A_111 : f32 to vector<512x512xf32>
    %select_n3A_114 = arith.select %eq3A_109, %broadcast_in_dim3A_112, %broadcast_in_dim3A_113 : vector<512x512xi1>, vector<512x512xf32>
    %reduce_sum3A_115 = arith.constant dense<0.000000e+00> : vector<512xf32>
    %reduce_sum3A_116 = vector.multi_reduction <add>, %select_n3A_114, %reduce_sum3A_115 [1] : vector<512x512xf32> to vector<512xf32>
    %broadcast_in_dim3A_117 = vector.shape_cast %reduce_sum3A_116 : vector<512xf32> to vector<512x1xf32>
    %select_n3A_118 = arith.select %eq3A_109, %select_n3A_88, %select_n3A_87 : vector<512x512xi1>, vector<512x512xf32>
    %select_n3A_119 = arith.select %eq3A_109, %select_n3A_89, %select_n3A_88 : vector<512x512xi1>, vector<512x512xf32>
    %select_n3A_120 = arith.select %eq3A_109, %select_n3A_90, %select_n3A_89 : vector<512x512xi1>, vector<512x512xf32>
    %select_n3A_121 = arith.select %eq3A_109, %select_n3A_91, %select_n3A_90 : vector<512x512xi1>, vector<512x512xf32>
    %select_n3A_122 = arith.select %eq3A_109, %select_n3A_92, %select_n3A_91 : vector<512x512xi1>, vector<512x512xf32>
    %select_n3A_123 = arith.select %eq3A_109, %select_n3A_93, %select_n3A_92 : vector<512x512xi1>, vector<512x512xf32>
    %select_n3A_124 = arith.select %eq3A_109, %select_n3A_96, %select_n3A_93 : vector<512x512xi1>, vector<512x512xf32>
    %jit3A_125 = arith.constant 0x7F800000 : f32
    %broadcast_in_dim3A_126 = vector.broadcast %jit3A_125 : f32 to vector<512x512xf32>
    %select_n3A_127 = arith.select %eq3A_109, %broadcast_in_dim3A_126, %select_n3A_96 : vector<512x512xi1>, vector<512x512xf32>
    %gt3A_128 = arith.cmpf ogt, %broadcast_in_dim3A_107, %broadcast_in_dim3A_76 : vector<512x1xf32>
    %select_n3A_129 = arith.select %gt3A_128, %add3A_98, %select_n3A_97 : vector<512x1xi1>, vector<512x1xf32>
    %add3A_130 = arith.addf %add3A_98, %broadcast_in_dim3A_117 : vector<512x1xf32>
    %lt3A_131 = arith.constant 1.000000e+01 : f32
    %lt3A_132 = vector.broadcast %lt3A_131 : f32 to vector<512x1xf32>
    %lt3A_133 = arith.cmpf olt, %add3A_98, %lt3A_132 : vector<512x1xf32>
    %ge3A_134 = arith.constant 1.000000e+01 : f32
    %ge3A_135 = vector.broadcast %ge3A_134 : f32 to vector<512x1xf32>
    %ge3A_136 = arith.cmpf oge, %add3A_130, %ge3A_135 : vector<512x1xf32>
    %and3A_137 = arith.andi %lt3A_133, %ge3A_136 : vector<512x1xi1>
    %select_n3A_138 = arith.select %and3A_137, %broadcast_in_dim3A_107, %select_n3A_103 : vector<512x1xi1>, vector<512x1xf32>
    %select_n3A_139 = arith.select %and3A_137, %select_n3A_129, %select_n3A_104 : vector<512x1xi1>, vector<512x1xf32>
    %reduce_min3A_140 = arith.constant dense<0x7F800000> : vector<512xf32>
    %reduce_min3A_141 = vector.multi_reduction <minimumf>, %select_n3A_118, %reduce_min3A_140 [1] : vector<512x512xf32> to vector<512xf32>
    %broadcast_in_dim3A_142 = vector.shape_cast %reduce_min3A_141 : vector<512xf32> to vector<512x1xf32>
    %eq3A_143 = vector.broadcast %broadcast_in_dim3A_142 : vector<512x1xf32> to vector<512x512xf32>
    %eq3A_144 = arith.cmpf oeq, %select_n3A_118, %eq3A_143 : vector<512x512xf32>
    %jit3A_145 = arith.constant 1.000000e+00 : f32
    %jit3A_146 = arith.constant 0.000000e+00 : f32
    %broadcast_in_dim3A_147 = vector.broadcast %jit3A_145 : f32 to vector<512x512xf32>
    %broadcast_in_dim3A_148 = vector.broadcast %jit3A_146 : f32 to vector<512x512xf32>
    %select_n3A_149 = arith.select %eq3A_144, %broadcast_in_dim3A_147, %broadcast_in_dim3A_148 : vector<512x512xi1>, vector<512x512xf32>
    %reduce_sum3A_150 = arith.constant dense<0.000000e+00> : vector<512xf32>
    %reduce_sum3A_151 = vector.multi_reduction <add>, %select_n3A_149, %reduce_sum3A_150 [1] : vector<512x512xf32> to vector<512xf32>
    %broadcast_in_dim3A_152 = vector.shape_cast %reduce_sum3A_151 : vector<512xf32> to vector<512x1xf32>
    %select_n3A_153 = arith.select %eq3A_144, %select_n3A_119, %select_n3A_118 : vector<512x512xi1>, vector<512x512xf32>
    %select_n3A_154 = arith.select %eq3A_144, %select_n3A_120, %select_n3A_119 : vector<512x512xi1>, vector<512x512xf32>
    %select_n3A_155 = arith.select %eq3A_144, %select_n3A_121, %select_n3A_120 : vector<512x512xi1>, vector<512x512xf32>
    %select_n3A_156 = arith.select %eq3A_144, %select_n3A_122, %select_n3A_121 : vector<512x512xi1>, vector<512x512xf32>
    %select_n3A_157 = arith.select %eq3A_144, %select_n3A_123, %select_n3A_122 : vector<512x512xi1>, vector<512x512xf32>
    %select_n3A_158 = arith.select %eq3A_144, %select_n3A_124, %select_n3A_123 : vector<512x512xi1>, vector<512x512xf32>
    %select_n3A_159 = arith.select %eq3A_144, %select_n3A_127, %select_n3A_124 : vector<512x512xi1>, vector<512x512xf32>
    %gt3A_160 = arith.cmpf ogt, %broadcast_in_dim3A_142, %broadcast_in_dim3A_107 : vector<512x1xf32>
    %select_n3A_161 = arith.select %gt3A_160, %add3A_130, %select_n3A_129 : vector<512x1xi1>, vector<512x1xf32>
    %add3A_162 = arith.addf %add3A_130, %broadcast_in_dim3A_152 : vector<512x1xf32>
    %lt3A_163 = arith.constant 1.000000e+01 : f32
    %lt3A_164 = vector.broadcast %lt3A_163 : f32 to vector<512x1xf32>
    %lt3A_165 = arith.cmpf olt, %add3A_130, %lt3A_164 : vector<512x1xf32>
    %ge3A_166 = arith.constant 1.000000e+01 : f32
    %ge3A_167 = vector.broadcast %ge3A_166 : f32 to vector<512x1xf32>
    %ge3A_168 = arith.cmpf oge, %add3A_162, %ge3A_167 : vector<512x1xf32>
    %and3A_169 = arith.andi %lt3A_165, %ge3A_168 : vector<512x1xi1>
    %select_n3A_170 = arith.select %and3A_169, %broadcast_in_dim3A_142, %select_n3A_138 : vector<512x1xi1>, vector<512x1xf32>
    %select_n3A_171 = arith.select %and3A_169, %select_n3A_161, %select_n3A_139 : vector<512x1xi1>, vector<512x1xf32>
    %reduce_min3A_172 = arith.constant dense<0x7F800000> : vector<512xf32>
    %reduce_min3A_173 = vector.multi_reduction <minimumf>, %select_n3A_153, %reduce_min3A_172 [1] : vector<512x512xf32> to vector<512xf32>
    %broadcast_in_dim3A_174 = vector.shape_cast %reduce_min3A_173 : vector<512xf32> to vector<512x1xf32>
    %eq3A_175 = vector.broadcast %broadcast_in_dim3A_174 : vector<512x1xf32> to vector<512x512xf32>
    %eq3A_176 = arith.cmpf oeq, %select_n3A_153, %eq3A_175 : vector<512x512xf32>
    %jit3A_177 = arith.constant 1.000000e+00 : f32
    %jit3A_178 = arith.constant 0.000000e+00 : f32
    %broadcast_in_dim3A_179 = vector.broadcast %jit3A_177 : f32 to vector<512x512xf32>
    %broadcast_in_dim3A_180 = vector.broadcast %jit3A_178 : f32 to vector<512x512xf32>
    %select_n3A_181 = arith.select %eq3A_176, %broadcast_in_dim3A_179, %broadcast_in_dim3A_180 : vector<512x512xi1>, vector<512x512xf32>
    %reduce_sum3A_182 = arith.constant dense<0.000000e+00> : vector<512xf32>
    %reduce_sum3A_183 = vector.multi_reduction <add>, %select_n3A_181, %reduce_sum3A_182 [1] : vector<512x512xf32> to vector<512xf32>
    %broadcast_in_dim3A_184 = vector.shape_cast %reduce_sum3A_183 : vector<512xf32> to vector<512x1xf32>
    %select_n3A_185 = arith.select %eq3A_176, %select_n3A_154, %select_n3A_153 : vector<512x512xi1>, vector<512x512xf32>
    %select_n3A_186 = arith.select %eq3A_176, %select_n3A_155, %select_n3A_154 : vector<512x512xi1>, vector<512x512xf32>
    %select_n3A_187 = arith.select %eq3A_176, %select_n3A_156, %select_n3A_155 : vector<512x512xi1>, vector<512x512xf32>
    %select_n3A_188 = arith.select %eq3A_176, %select_n3A_157, %select_n3A_156 : vector<512x512xi1>, vector<512x512xf32>
    %select_n3A_189 = arith.select %eq3A_176, %select_n3A_158, %select_n3A_157 : vector<512x512xi1>, vector<512x512xf32>
    %select_n3A_190 = arith.select %eq3A_176, %select_n3A_159, %select_n3A_158 : vector<512x512xi1>, vector<512x512xf32>
    %gt3A_191 = arith.cmpf ogt, %broadcast_in_dim3A_174, %broadcast_in_dim3A_142 : vector<512x1xf32>
    %select_n3A_192 = arith.select %gt3A_191, %add3A_162, %select_n3A_161 : vector<512x1xi1>, vector<512x1xf32>
    %add3A_193 = arith.addf %add3A_162, %broadcast_in_dim3A_184 : vector<512x1xf32>
    %lt3A_194 = arith.constant 1.000000e+01 : f32
    %lt3A_195 = vector.broadcast %lt3A_194 : f32 to vector<512x1xf32>
    %lt3A_196 = arith.cmpf olt, %add3A_162, %lt3A_195 : vector<512x1xf32>
    %ge3A_197 = arith.constant 1.000000e+01 : f32
    %ge3A_198 = vector.broadcast %ge3A_197 : f32 to vector<512x1xf32>
    %ge3A_199 = arith.cmpf oge, %add3A_193, %ge3A_198 : vector<512x1xf32>
    %and3A_200 = arith.andi %lt3A_196, %ge3A_199 : vector<512x1xi1>
    %select_n3A_201 = arith.select %and3A_200, %broadcast_in_dim3A_174, %select_n3A_170 : vector<512x1xi1>, vector<512x1xf32>
    %select_n3A_202 = arith.select %and3A_200, %select_n3A_192, %select_n3A_171 : vector<512x1xi1>, vector<512x1xf32>
    %reduce_min3A_203 = arith.constant dense<0x7F800000> : vector<512xf32>
    %reduce_min3A_204 = vector.multi_reduction <minimumf>, %select_n3A_185, %reduce_min3A_203 [1] : vector<512x512xf32> to vector<512xf32>
    %broadcast_in_dim3A_205 = vector.shape_cast %reduce_min3A_204 : vector<512xf32> to vector<512x1xf32>
    %eq3A_206 = vector.broadcast %broadcast_in_dim3A_205 : vector<512x1xf32> to vector<512x512xf32>
    %eq3A_207 = arith.cmpf oeq, %select_n3A_185, %eq3A_206 : vector<512x512xf32>
    %jit3A_208 = arith.constant 1.000000e+00 : f32
    %jit3A_209 = arith.constant 0.000000e+00 : f32
    %broadcast_in_dim3A_210 = vector.broadcast %jit3A_208 : f32 to vector<512x512xf32>
    %broadcast_in_dim3A_211 = vector.broadcast %jit3A_209 : f32 to vector<512x512xf32>
    %select_n3A_212 = arith.select %eq3A_207, %broadcast_in_dim3A_210, %broadcast_in_dim3A_211 : vector<512x512xi1>, vector<512x512xf32>
    %reduce_sum3A_213 = arith.constant dense<0.000000e+00> : vector<512xf32>
    %reduce_sum3A_214 = vector.multi_reduction <add>, %select_n3A_212, %reduce_sum3A_213 [1] : vector<512x512xf32> to vector<512xf32>
    %broadcast_in_dim3A_215 = vector.shape_cast %reduce_sum3A_214 : vector<512xf32> to vector<512x1xf32>
    %select_n3A_216 = arith.select %eq3A_207, %select_n3A_186, %select_n3A_185 : vector<512x512xi1>, vector<512x512xf32>
    %select_n3A_217 = arith.select %eq3A_207, %select_n3A_187, %select_n3A_186 : vector<512x512xi1>, vector<512x512xf32>
    %select_n3A_218 = arith.select %eq3A_207, %select_n3A_188, %select_n3A_187 : vector<512x512xi1>, vector<512x512xf32>
    %select_n3A_219 = arith.select %eq3A_207, %select_n3A_189, %select_n3A_188 : vector<512x512xi1>, vector<512x512xf32>
    %select_n3A_220 = arith.select %eq3A_207, %select_n3A_190, %select_n3A_189 : vector<512x512xi1>, vector<512x512xf32>
    %gt3A_221 = arith.cmpf ogt, %broadcast_in_dim3A_205, %broadcast_in_dim3A_174 : vector<512x1xf32>
    %select_n3A_222 = arith.select %gt3A_221, %add3A_193, %select_n3A_192 : vector<512x1xi1>, vector<512x1xf32>
    %add3A_223 = arith.addf %add3A_193, %broadcast_in_dim3A_215 : vector<512x1xf32>
    %lt3A_224 = arith.constant 1.000000e+01 : f32
    %lt3A_225 = vector.broadcast %lt3A_224 : f32 to vector<512x1xf32>
    %lt3A_226 = arith.cmpf olt, %add3A_193, %lt3A_225 : vector<512x1xf32>
    %ge3A_227 = arith.constant 1.000000e+01 : f32
    %ge3A_228 = vector.broadcast %ge3A_227 : f32 to vector<512x1xf32>
    %ge3A_229 = arith.cmpf oge, %add3A_223, %ge3A_228 : vector<512x1xf32>
    %and3A_230 = arith.andi %lt3A_226, %ge3A_229 : vector<512x1xi1>
    %select_n3A_231 = arith.select %and3A_230, %broadcast_in_dim3A_205, %select_n3A_201 : vector<512x1xi1>, vector<512x1xf32>
    %select_n3A_232 = arith.select %and3A_230, %select_n3A_222, %select_n3A_202 : vector<512x1xi1>, vector<512x1xf32>
    %reduce_min3A_233 = arith.constant dense<0x7F800000> : vector<512xf32>
    %reduce_min3A_234 = vector.multi_reduction <minimumf>, %select_n3A_216, %reduce_min3A_233 [1] : vector<512x512xf32> to vector<512xf32>
    %broadcast_in_dim3A_235 = vector.shape_cast %reduce_min3A_234 : vector<512xf32> to vector<512x1xf32>
    %eq3A_236 = vector.broadcast %broadcast_in_dim3A_235 : vector<512x1xf32> to vector<512x512xf32>
    %eq3A_237 = arith.cmpf oeq, %select_n3A_216, %eq3A_236 : vector<512x512xf32>
    %jit3A_238 = arith.constant 1.000000e+00 : f32
    %jit3A_239 = arith.constant 0.000000e+00 : f32
    %broadcast_in_dim3A_240 = vector.broadcast %jit3A_238 : f32 to vector<512x512xf32>
    %broadcast_in_dim3A_241 = vector.broadcast %jit3A_239 : f32 to vector<512x512xf32>
    %select_n3A_242 = arith.select %eq3A_237, %broadcast_in_dim3A_240, %broadcast_in_dim3A_241 : vector<512x512xi1>, vector<512x512xf32>
    %reduce_sum3A_243 = arith.constant dense<0.000000e+00> : vector<512xf32>
    %reduce_sum3A_244 = vector.multi_reduction <add>, %select_n3A_242, %reduce_sum3A_243 [1] : vector<512x512xf32> to vector<512xf32>
    %broadcast_in_dim3A_245 = vector.shape_cast %reduce_sum3A_244 : vector<512xf32> to vector<512x1xf32>
    %select_n3A_246 = arith.select %eq3A_237, %select_n3A_217, %select_n3A_216 : vector<512x512xi1>, vector<512x512xf32>
    %select_n3A_247 = arith.select %eq3A_237, %select_n3A_218, %select_n3A_217 : vector<512x512xi1>, vector<512x512xf32>
    %select_n3A_248 = arith.select %eq3A_237, %select_n3A_219, %select_n3A_218 : vector<512x512xi1>, vector<512x512xf32>
    %select_n3A_249 = arith.select %eq3A_237, %select_n3A_220, %select_n3A_219 : vector<512x512xi1>, vector<512x512xf32>
    %gt3A_250 = arith.cmpf ogt, %broadcast_in_dim3A_235, %broadcast_in_dim3A_205 : vector<512x1xf32>
    %select_n3A_251 = arith.select %gt3A_250, %add3A_223, %select_n3A_222 : vector<512x1xi1>, vector<512x1xf32>
    %add3A_252 = arith.addf %add3A_223, %broadcast_in_dim3A_245 : vector<512x1xf32>
    %lt3A_253 = arith.constant 1.000000e+01 : f32
    %lt3A_254 = vector.broadcast %lt3A_253 : f32 to vector<512x1xf32>
    %lt3A_255 = arith.cmpf olt, %add3A_223, %lt3A_254 : vector<512x1xf32>
    %ge3A_256 = arith.constant 1.000000e+01 : f32
    %ge3A_257 = vector.broadcast %ge3A_256 : f32 to vector<512x1xf32>
    %ge3A_258 = arith.cmpf oge, %add3A_252, %ge3A_257 : vector<512x1xf32>
    %and3A_259 = arith.andi %lt3A_255, %ge3A_258 : vector<512x1xi1>
    %select_n3A_260 = arith.select %and3A_259, %broadcast_in_dim3A_235, %select_n3A_231 : vector<512x1xi1>, vector<512x1xf32>
    %select_n3A_261 = arith.select %and3A_259, %select_n3A_251, %select_n3A_232 : vector<512x1xi1>, vector<512x1xf32>
    %reduce_min3A_262 = arith.constant dense<0x7F800000> : vector<512xf32>
    %reduce_min3A_263 = vector.multi_reduction <minimumf>, %select_n3A_246, %reduce_min3A_262 [1] : vector<512x512xf32> to vector<512xf32>
    %broadcast_in_dim3A_264 = vector.shape_cast %reduce_min3A_263 : vector<512xf32> to vector<512x1xf32>
    %eq3A_265 = vector.broadcast %broadcast_in_dim3A_264 : vector<512x1xf32> to vector<512x512xf32>
    %eq3A_266 = arith.cmpf oeq, %select_n3A_246, %eq3A_265 : vector<512x512xf32>
    %jit3A_267 = arith.constant 1.000000e+00 : f32
    %jit3A_268 = arith.constant 0.000000e+00 : f32
    %broadcast_in_dim3A_269 = vector.broadcast %jit3A_267 : f32 to vector<512x512xf32>
    %broadcast_in_dim3A_270 = vector.broadcast %jit3A_268 : f32 to vector<512x512xf32>
    %select_n3A_271 = arith.select %eq3A_266, %broadcast_in_dim3A_269, %broadcast_in_dim3A_270 : vector<512x512xi1>, vector<512x512xf32>
    %reduce_sum3A_272 = arith.constant dense<0.000000e+00> : vector<512xf32>
    %reduce_sum3A_273 = vector.multi_reduction <add>, %select_n3A_271, %reduce_sum3A_272 [1] : vector<512x512xf32> to vector<512xf32>
    %broadcast_in_dim3A_274 = vector.shape_cast %reduce_sum3A_273 : vector<512xf32> to vector<512x1xf32>
    %select_n3A_275 = arith.select %eq3A_266, %select_n3A_247, %select_n3A_246 : vector<512x512xi1>, vector<512x512xf32>
    %select_n3A_276 = arith.select %eq3A_266, %select_n3A_248, %select_n3A_247 : vector<512x512xi1>, vector<512x512xf32>
    %select_n3A_277 = arith.select %eq3A_266, %select_n3A_249, %select_n3A_248 : vector<512x512xi1>, vector<512x512xf32>
    %gt3A_278 = arith.cmpf ogt, %broadcast_in_dim3A_264, %broadcast_in_dim3A_235 : vector<512x1xf32>
    %select_n3A_279 = arith.select %gt3A_278, %add3A_252, %select_n3A_251 : vector<512x1xi1>, vector<512x1xf32>
    %add3A_280 = arith.addf %add3A_252, %broadcast_in_dim3A_274 : vector<512x1xf32>
    %lt3A_281 = arith.constant 1.000000e+01 : f32
    %lt3A_282 = vector.broadcast %lt3A_281 : f32 to vector<512x1xf32>
    %lt3A_283 = arith.cmpf olt, %add3A_252, %lt3A_282 : vector<512x1xf32>
    %ge3A_284 = arith.constant 1.000000e+01 : f32
    %ge3A_285 = vector.broadcast %ge3A_284 : f32 to vector<512x1xf32>
    %ge3A_286 = arith.cmpf oge, %add3A_280, %ge3A_285 : vector<512x1xf32>
    %and3A_287 = arith.andi %lt3A_283, %ge3A_286 : vector<512x1xi1>
    %select_n3A_288 = arith.select %and3A_287, %broadcast_in_dim3A_264, %select_n3A_260 : vector<512x1xi1>, vector<512x1xf32>
    %select_n3A_289 = arith.select %and3A_287, %select_n3A_279, %select_n3A_261 : vector<512x1xi1>, vector<512x1xf32>
    %reduce_min3A_290 = arith.constant dense<0x7F800000> : vector<512xf32>
    %reduce_min3A_291 = vector.multi_reduction <minimumf>, %select_n3A_275, %reduce_min3A_290 [1] : vector<512x512xf32> to vector<512xf32>
    %broadcast_in_dim3A_292 = vector.shape_cast %reduce_min3A_291 : vector<512xf32> to vector<512x1xf32>
    %eq3A_293 = vector.broadcast %broadcast_in_dim3A_292 : vector<512x1xf32> to vector<512x512xf32>
    %eq3A_294 = arith.cmpf oeq, %select_n3A_275, %eq3A_293 : vector<512x512xf32>
    %jit3A_295 = arith.constant 1.000000e+00 : f32
    %jit3A_296 = arith.constant 0.000000e+00 : f32
    %broadcast_in_dim3A_297 = vector.broadcast %jit3A_295 : f32 to vector<512x512xf32>
    %broadcast_in_dim3A_298 = vector.broadcast %jit3A_296 : f32 to vector<512x512xf32>
    %select_n3A_299 = arith.select %eq3A_294, %broadcast_in_dim3A_297, %broadcast_in_dim3A_298 : vector<512x512xi1>, vector<512x512xf32>
    %reduce_sum3A_300 = arith.constant dense<0.000000e+00> : vector<512xf32>
    %reduce_sum3A_301 = vector.multi_reduction <add>, %select_n3A_299, %reduce_sum3A_300 [1] : vector<512x512xf32> to vector<512xf32>
    %broadcast_in_dim3A_302 = vector.shape_cast %reduce_sum3A_301 : vector<512xf32> to vector<512x1xf32>
    %select_n3A_303 = arith.select %eq3A_294, %select_n3A_276, %select_n3A_275 : vector<512x512xi1>, vector<512x512xf32>
    %select_n3A_304 = arith.select %eq3A_294, %select_n3A_277, %select_n3A_276 : vector<512x512xi1>, vector<512x512xf32>
    %gt3A_305 = arith.cmpf ogt, %broadcast_in_dim3A_292, %broadcast_in_dim3A_264 : vector<512x1xf32>
    %select_n3A_306 = arith.select %gt3A_305, %add3A_280, %select_n3A_279 : vector<512x1xi1>, vector<512x1xf32>
    %add3A_307 = arith.addf %add3A_280, %broadcast_in_dim3A_302 : vector<512x1xf32>
    %lt3A_308 = arith.constant 1.000000e+01 : f32
    %lt3A_309 = vector.broadcast %lt3A_308 : f32 to vector<512x1xf32>
    %lt3A_310 = arith.cmpf olt, %add3A_280, %lt3A_309 : vector<512x1xf32>
    %ge3A_311 = arith.constant 1.000000e+01 : f32
    %ge3A_312 = vector.broadcast %ge3A_311 : f32 to vector<512x1xf32>
    %ge3A_313 = arith.cmpf oge, %add3A_307, %ge3A_312 : vector<512x1xf32>
    %and3A_314 = arith.andi %lt3A_310, %ge3A_313 : vector<512x1xi1>
    %select_n3A_315 = arith.select %and3A_314, %broadcast_in_dim3A_292, %select_n3A_288 : vector<512x1xi1>, vector<512x1xf32>
    %select_n3A_316 = arith.select %and3A_314, %select_n3A_306, %select_n3A_289 : vector<512x1xi1>, vector<512x1xf32>
    %reduce_min3A_317 = arith.constant dense<0x7F800000> : vector<512xf32>
    %reduce_min3A_318 = vector.multi_reduction <minimumf>, %select_n3A_303, %reduce_min3A_317 [1] : vector<512x512xf32> to vector<512xf32>
    %broadcast_in_dim3A_319 = vector.shape_cast %reduce_min3A_318 : vector<512xf32> to vector<512x1xf32>
    %eq3A_320 = vector.broadcast %broadcast_in_dim3A_319 : vector<512x1xf32> to vector<512x512xf32>
    %eq3A_321 = arith.cmpf oeq, %select_n3A_303, %eq3A_320 : vector<512x512xf32>
    %jit3A_322 = arith.constant 1.000000e+00 : f32
    %jit3A_323 = arith.constant 0.000000e+00 : f32
    %broadcast_in_dim3A_324 = vector.broadcast %jit3A_322 : f32 to vector<512x512xf32>
    %broadcast_in_dim3A_325 = vector.broadcast %jit3A_323 : f32 to vector<512x512xf32>
    %select_n3A_326 = arith.select %eq3A_321, %broadcast_in_dim3A_324, %broadcast_in_dim3A_325 : vector<512x512xi1>, vector<512x512xf32>
    %reduce_sum3A_327 = arith.constant dense<0.000000e+00> : vector<512xf32>
    %reduce_sum3A_328 = vector.multi_reduction <add>, %select_n3A_326, %reduce_sum3A_327 [1] : vector<512x512xf32> to vector<512xf32>
    %broadcast_in_dim3A_329 = vector.shape_cast %reduce_sum3A_328 : vector<512xf32> to vector<512x1xf32>
    %select_n3A_330 = arith.select %eq3A_321, %select_n3A_304, %select_n3A_303 : vector<512x512xi1>, vector<512x512xf32>
    %gt3A_331 = arith.cmpf ogt, %broadcast_in_dim3A_319, %broadcast_in_dim3A_292 : vector<512x1xf32>
    %select_n3A_332 = arith.select %gt3A_331, %add3A_307, %select_n3A_306 : vector<512x1xi1>, vector<512x1xf32>
    %add3A_333 = arith.addf %add3A_307, %broadcast_in_dim3A_329 : vector<512x1xf32>
    %lt3A_334 = arith.constant 1.000000e+01 : f32
    %lt3A_335 = vector.broadcast %lt3A_334 : f32 to vector<512x1xf32>
    %lt3A_336 = arith.cmpf olt, %add3A_307, %lt3A_335 : vector<512x1xf32>
    %ge3A_337 = arith.constant 1.000000e+01 : f32
    %ge3A_338 = vector.broadcast %ge3A_337 : f32 to vector<512x1xf32>
    %ge3A_339 = arith.cmpf oge, %add3A_333, %ge3A_338 : vector<512x1xf32>
    %and3A_340 = arith.andi %lt3A_336, %ge3A_339 : vector<512x1xi1>
    %select_n3A_341 = arith.select %and3A_340, %broadcast_in_dim3A_319, %select_n3A_315 : vector<512x1xi1>, vector<512x1xf32>
    %select_n3A_342 = arith.select %and3A_340, %select_n3A_332, %select_n3A_316 : vector<512x1xi1>, vector<512x1xf32>
    %reduce_min3A_343 = arith.constant dense<0x7F800000> : vector<512xf32>
    %reduce_min3A_344 = vector.multi_reduction <minimumf>, %select_n3A_330, %reduce_min3A_343 [1] : vector<512x512xf32> to vector<512xf32>
    %broadcast_in_dim3A_345 = vector.shape_cast %reduce_min3A_344 : vector<512xf32> to vector<512x1xf32>
    %eq3A_346 = vector.broadcast %broadcast_in_dim3A_345 : vector<512x1xf32> to vector<512x512xf32>
    %eq3A_347 = arith.cmpf oeq, %select_n3A_330, %eq3A_346 : vector<512x512xf32>
    %jit3A_348 = arith.constant 1.000000e+00 : f32
    %jit3A_349 = arith.constant 0.000000e+00 : f32
    %broadcast_in_dim3A_350 = vector.broadcast %jit3A_348 : f32 to vector<512x512xf32>
    %broadcast_in_dim3A_351 = vector.broadcast %jit3A_349 : f32 to vector<512x512xf32>
    %select_n3A_352 = arith.select %eq3A_347, %broadcast_in_dim3A_350, %broadcast_in_dim3A_351 : vector<512x512xi1>, vector<512x512xf32>
    %reduce_sum3A_353 = arith.constant dense<0.000000e+00> : vector<512xf32>
    %reduce_sum3A_354 = vector.multi_reduction <add>, %select_n3A_352, %reduce_sum3A_353 [1] : vector<512x512xf32> to vector<512xf32>
    %broadcast_in_dim3A_355 = vector.shape_cast %reduce_sum3A_354 : vector<512xf32> to vector<512x1xf32>
    %gt3A_356 = arith.cmpf ogt, %broadcast_in_dim3A_345, %broadcast_in_dim3A_319 : vector<512x1xf32>
    %select_n3A_357 = arith.select %gt3A_356, %add3A_333, %select_n3A_332 : vector<512x1xi1>, vector<512x1xf32>
    %add3A_358 = arith.addf %add3A_333, %broadcast_in_dim3A_355 : vector<512x1xf32>
    %lt3A_359 = arith.constant 1.000000e+01 : f32
    %lt3A_360 = vector.broadcast %lt3A_359 : f32 to vector<512x1xf32>
    %lt3A_361 = arith.cmpf olt, %add3A_333, %lt3A_360 : vector<512x1xf32>
    %ge3A_362 = arith.constant 1.000000e+01 : f32
    %ge3A_363 = vector.broadcast %ge3A_362 : f32 to vector<512x1xf32>
    %ge3A_364 = arith.cmpf oge, %add3A_358, %ge3A_363 : vector<512x1xf32>
    %and3A_365 = arith.andi %lt3A_361, %ge3A_364 : vector<512x1xi1>
    %select_n3A_366 = arith.select %and3A_365, %broadcast_in_dim3A_345, %select_n3A_341 : vector<512x1xi1>, vector<512x1xf32>
    %select_n3A_367 = arith.select %and3A_365, %select_n3A_357, %select_n3A_342 : vector<512x1xi1>, vector<512x1xf32>
    %lt3A_368 = vector.broadcast %select_n3A_366 : vector<512x1xf32> to vector<512x4096xf32>
    %lt3A_369 = arith.cmpf olt, %select_n3A, %lt3A_368 : vector<512x4096xf32>
    %eq3A_370 = vector.broadcast %select_n3A_366 : vector<512x1xf32> to vector<512x4096xf32>
    %eq3A_371 = arith.cmpf oeq, %select_n3A, %eq3A_370 : vector<512x4096xf32>
    %jit3A_372 = arith.constant 1.000000e+00 : f32
    %jit3A_373 = arith.constant 0.000000e+00 : f32
    %broadcast_in_dim3A_374 = vector.broadcast %jit3A_372 : f32 to vector<512x4096xf32>
    %broadcast_in_dim3A_375 = vector.broadcast %jit3A_373 : f32 to vector<512x4096xf32>
    %select_n3A_376 = arith.select %eq3A_371, %broadcast_in_dim3A_374, %broadcast_in_dim3A_375 : vector<512x4096xi1>, vector<512x4096xf32>
    %reduce_sum3A_377 = arith.constant dense<0.000000e+00> : vector<512xf32>
    %reduce_sum3A_378 = vector.multi_reduction <add>, %select_n3A_376, %reduce_sum3A_377 [1] : vector<512x4096xf32> to vector<512xf32>
    %broadcast_in_dim3A_379 = vector.shape_cast %reduce_sum3A_378 : vector<512xf32> to vector<512x1xf32>
    %sub3A_380 = arith.constant 1.000000e+01 : f32
    %sub3A_381 = vector.broadcast %sub3A_380 : f32 to vector<512x1xf32>
    %sub3A_382 = arith.subf %sub3A_381, %select_n3A_367 : vector<512x1xf32>
    %div3A = arith.divf %sub3A_382, %broadcast_in_dim3A_379 : vector<512x1xf32>
    %jit3A_383 = arith.constant 0.000000e+00 : f32
    %broadcast_in_dim3A_384 = vector.shape_cast %div3A : vector<512x1xf32> to vector<512x1xf32>
    %broadcast_in_dim3A_385 = vector.broadcast %broadcast_in_dim3A_384 : vector<512x1xf32> to vector<512x4096xf32>
    %broadcast_in_dim3A_386 = vector.broadcast %jit3A_383 : f32 to vector<512x4096xf32>
    %select_n3A_387 = arith.select %eq3A_371, %broadcast_in_dim3A_385, %broadcast_in_dim3A_386 : vector<512x4096xi1>, vector<512x4096xf32>
    %jit3A_388 = arith.constant 1.000000e+00 : f32
    %broadcast_in_dim3A_389 = vector.broadcast %jit3A_388 : f32 to vector<512x4096xf32>
    %select_n3A_390 = arith.select %lt3A_369, %broadcast_in_dim3A_389, %select_n3A_387 : vector<512x4096xi1>, vector<512x4096xf32>
    %get3A_391 = arith.constant 0 : index
    %get3A_392 = arith.constant 0 : index
    %get3A_393 = vector.load %arg3[%get3A_391, %get3A_392] : memref<4096x128xf32, #tpu.memory_space<vmem>>, vector<4096x128xf32>
    %dot_general3A_394 = arith.constant dense<0.000000e+00> : vector<512x128xf32>
    %dot_general3A_395 = tpu.matmul %select_n3A_390, %get3A_393, %dot_general3A_394 {dimension_numbers = #tpu.dot_dimension_numbers<[1], [0], [0], [1], [0, 0, 1, 1], [], []>, transpose_lhs_hint = false} : vector<512x4096xf32>, vector<4096x128xf32>, vector<512x128xf32> -> vector<512x128xf32>
    %swap3A = arith.constant 0 : index
    %swap3A_396 = arith.constant 0 : index
    %swap3A_397 = vector.load %arg5[%swap3A, %swap3A_396] : memref<512x128xf32, #tpu.memory_space<vmem>>, vector<512x128xf32>
    tpu.vector_store %arg5[%swap3A, %swap3A_396], %dot_general3A_395 {strides = array<i32>} : memref<512x128xf32, #tpu.memory_space<vmem>>, vector<512x128xf32>,
    return
  }
  func.func @transform_0(%arg0: i32) -> (i32, i32) {
    %c0_i32 = arith.constant 0 : i32
    %c0_i32_0 = arith.constant 0 : i32
    %c0_i32_1 = arith.constant 0 : i32
    return %c0_i32, %c0_i32_0 : i32, i32
  }
  func.func @transform_1(%arg0: i32) -> (i32, i32) {
    %c0_i32 = arith.constant 0 : i32
    %c0_i32_0 = arith.constant 0 : i32
    %c0_i32_1 = arith.constant 0 : i32
    return %c0_i32, %c0_i32_0 : i32, i32
  }
  func.func @transform_2(%arg0: i32) -> (i32, i32) {
    %c0_i32 = arith.constant 0 : i32
    %c0_i32_0 = arith.constant 0 : i32
    %c0_i32_1 = arith.constant 0 : i32
    return %c0_i32, %c0_i32_0 : i32, i32
  }
  func.func @transform_3(%arg0: i32) -> (i32, i32) {
    %c0_i32 = arith.constant 0 : i32
    %c0_i32_0 = arith.constant 0 : i32
    %c0_i32_1 = arith.constant 0 : i32
    return %c0_i32, %c0_i32_0 : i32, i32
  }
  func.func @transform_4(%arg0: i32) -> (i32, i32) {
    %c0_i32 = arith.constant 0 : i32
    %c0_i32_0 = arith.constant 0 : i32
    return %arg0, %c0_i32 : i32, i32
  }
}

</mosaic_0001>

<sc_bundles>
// kernel: kernel.5.cloned.1.call-start
scs
__scs_entry_jumppad:
0x0: {  	(pc) =	sbr.rel $0x88, $3  }
0x1: {  	(tag) =	ssettag $0x0;
	lr =	simm.s32 $0x1  }
0x2: {  	[smem:$0x3F9F] =	sst lr;
	_ =	strace $0xD0000000  }
0x3: {  	_ = 	snop  }
0x4: {  	_ = 	snop  }
0x5: {  	_ = 	snop  }
0x6: {  	_ = 	snop  }
0x7: {  	_ = 	snop  }
__scs_overlays_trampoline_lowered:
0x8: {  	[smem:$0x3FAE] =	sst s0  }
0x9: {  	[smem:$0x3FAF] =	sst s1  }
0xa: {  	[smem:$0x3FB0] =	sst s2  }
0xb: {  	[smem:$0x3FB1] =	sst s3  }
0xc: {  	[smem:$0x3FB2] =	sst s4  }
0xd: {  	[smem:$0x3FB3] =	sst s5  }
0xe: {  	[smem:$0x3FB4] =	sst s6  }
0xf: {  	[smem:$0x3FB5] =	sst s7  }
0x10: {  	[smem:$0x3FB6] =	sst s8  }
0x11: {  	[smem:$0x3FB7] =	sst s9;
	s0 =	simm.s32 @!p0 $0x0  }
0x12: {  	s1 =	sld [smem:$0x3F9D];
	s0 =	simm.s32 @p0 $0x1  }
0x13: {  	[smem:$0x3FB8] =	sst s0;
	s0 =	simm.s32 @!p1 $0x0  }
0x14: {  	s2 =	sld [smem:$0x3F9C];
	s0 =	simm.s32 @p1 $0x1  }
0x15: {  	[smem:$0x3FB9] =	sst s0;
	s0 =	simm.s32 @!p2 $0x0  }
0x16: {  	s3 =	sld [smem:$0x3FDB];
	s0 =	simm.s32 @p2 $0x1  }
0x17: {  	s4 =	simm.s32 $0x1BF5;
	[smem:$0x3FBB] =	sst s0  }
0x18: {  	s0 =	sld [smem:$0x3F9E];
	_ =	swait.ge [sflag:s4], $0x0  }
0x19: {  	s7 =	sld [smem:$0x3F9F]  }
0x1a: {  	s8 =	sadd.s32 $0xFFFFE003, lr  }
0x1b: {  	s9 =	sadd.s32 $0xFFFFFEF7, lr;
	s5 =	simm.s32 $0xFFFFFFFF;
	p2 =	slt.u32 s8, $0xFFFFF086  }
0x1c: {  	p1 =	slt.u32 s9, $0xF7A;
	s5 =	simm.s32 @!p2 $0x0  }
0x1d: {  	s5 =	simm.s32 @p1 $0x1;
	p0 =	seq.s32 s7, s2  }
0x1e: {  	s7 =	smul.u32 @!p0 $0xF7A, s2;
	p2 =	seq.s32 @!p0 s5, $0x0  }
0x1f: {  	s9 =	smul.u32 $0xF7A, s1;
	s8 =	simm.s32 @!p0 $0x1BF5;
	p2 =	por !p2, p0  }
0x20: {  	[sflag:s8] =	ssyncset.s32 @!p0 $0xFFFFF086;
	s6 =	sadd.s32 @!p0 s3, s7;
	s7 =	simm.s32 @!p0 $0x108  }
0x21: {  	s3 =	sadd.s32 s3, s9;
	s6 =	sadd.s32 @!p0 $0x88, s6;
	s7 =	simm.s32 @p2 $0x1082  }
0x22: {  	[simem:s7], [sflag:s8] =	dma.local @!p0 [hbm:s6], $0xF7A  }
0x23: {  	s9 =	sor.u32 $0xD0000000, s2;
	s6 =	simm.s32 $0x108;
	_ =	swait.ge @!p0 [sflag:s8], $0x0  }
0x24: {  	s3 =	sadd.s32 $0x88, s3;
	s6 =	simm.s32 @!p1 $0x1082;
	[sflag:s4] =	ssyncset.s32 $0xFFFFF086  }
0x25: {  	[simem:s6], [sflag:s4] =	dma.local [hbm:s3], $0xF7A  }
0x26: {  	[smem:$0x3F9F] =	sst s1;
	(tag) =	ssettag s2;
	_ =	strace s9  }
0x27: {  	s1 =	sld [smem:$0x3FAF]  }
0x28: {  	s2 =	sld [smem:$0x3FB0]  }
0x29: {  	s4 =	sld [smem:$0x3FB2]  }
0x2a: {  	p0 =	seq.s32 s5, $0x0;
	s5 =	sld [smem:$0x3FB3]  }
0x2b: {  	s6 =	sld [smem:$0x3FB4]  }
0x2c: {  	s7 =	sld [smem:$0x3FB5]  }
0x2d: {  	s3 =	simm.s32 $0x108;
	s8 =	sld [smem:$0x3FB6]  }
0x2e: {  	s3 =	simm.s32 @!p0 $0x1082;
	s9 =	sld [smem:$0x3FB7]  }
0x2f: {  	lr =	sadd.s32 s0, s3;
	s0 =	sld [smem:$0x3FAE]  }
0x30: {  	s3 =	sld [smem:$0x3FB1]  }
0x31: {  	[smem:$0x3FBA] =	sst s10  }
0x32: {  	s10 =	sld [smem:$0x3FB8];
	_ =	sdelay $0x3  }
0x33: {  	p0 =	seq.s32 s10, $0x1;
	s10 =	sld [smem:$0x3FBA];
	_ =	sdelay $0x3  }
0x34: {  	[smem:$0x3FBA] =	sst s10  }
0x35: {  	s10 =	sld [smem:$0x3FB9];
	_ =	sdelay $0x3  }
0x36: {  	p1 =	seq.s32 s10, $0x1;
	s10 =	sld [smem:$0x3FBA];
	_ =	sdelay $0x3  }
0x37: {  	[smem:$0x3FBA] =	sst s10  }
0x38: {  	s10 =	sld [smem:$0x3FBB]  }
0x39: {  	_ = 	snop;
	(pc) =	sbr.ind lr, $3  }
0x3a: {  	_ = 	snop  }
0x3b: {  	_ = 	snop  }
0x3c: {  	p2 =	seq.s32 s10, $0x1;
	s10 =	sld [smem:$0x3FBA]  }
0x3d: {  	_ =	shalt  }
0x3e: {  	_ =	shalt  }
0x3f: {  	_ =	shalt  }
0x40: {  	_ =	shalt  }
0x41: {  	_ =	shalt  }
0x42: {  	_ =	shalt  }
0x43: {  	_ =	shalt  }
0x44: {  	_ =	shalt  }
0x45: {  	_ =	shalt  }
0x46: {  	_ =	shalt  }
0x47: {  	_ =	shalt  }
0x48: {  	_ =	shalt  }
0x49: {  	_ =	shalt  }
0x4a: {  	_ =	shalt  }
0x4b: {  	_ =	shalt  }
0x4c: {  	_ =	shalt  }
0x4d: {  	_ =	shalt  }
0x4e: {  	_ =	shalt  }
0x4f: {  	_ =	shalt  }
0x50: {  	_ =	shalt  }
0x51: {  	_ =	shalt  }
0x52: {  	_ =	shalt  }
0x53: {  	_ =	shalt  }
0x54: {  	_ =	shalt  }
0x55: {  	_ =	shalt  }
0x56: {  	_ =	shalt  }
0x57: {  	_ =	shalt  }
0x58: {  	_ =	shalt  }
0x59: {  	_ =	shalt  }
0x5a: {  	_ =	shalt  }
0x5b: {  	_ =	shalt  }
0x5c: {  	_ =	shalt  }
0x5d: {  	_ =	shalt  }
0x5e: {  	_ =	shalt  }
0x5f: {  	_ =	shalt  }
0x60: {  	_ =	shalt  }
0x61: {  	_ =	shalt  }
0x62: {  	_ =	shalt  }
0x63: {  	_ =	shalt  }
0x64: {  	_ =	shalt  }
0x65: {  	_ =	shalt  }
0x66: {  	_ =	shalt  }
0x67: {  	_ =	shalt  }
0x68: {  	_ =	shalt  }
0x69: {  	_ =	shalt  }
0x6a: {  	_ =	shalt  }
0x6b: {  	_ =	shalt  }
0x6c: {  	_ =	shalt  }
0x6d: {  	_ =	shalt  }
0x6e: {  	_ =	shalt  }
0x6f: {  	_ =	shalt  }
0x70: {  	_ =	shalt  }
0x71: {  	_ =	shalt  }
0x72: {  	_ =	shalt  }
0x73: {  	_ =	shalt  }
0x74: {  	_ =	shalt  }
0x75: {  	_ =	shalt  }
0x76: {  	_ =	shalt  }
0x77: {  	_ =	shalt  }
0x78: {  	_ =	shalt  }
0x79: {  	_ =	shalt  }
0x7a: {  	_ =	shalt  }
0x7b: {  	_ =	shalt  }
0x7c: {  	_ =	shalt  }
0x7d: {  	_ =	shalt  }
0x7e: {  	_ =	shalt  }
0x7f: {  	_ =	shalt  }
0x80: {  	_ =	shalt  }
0x81: {  	_ =	shalt  }
0x82: {  	_ =	shalt  }
0x83: {  	_ =	shalt  }
0x84: {  	_ =	shalt  }
0x85: {  	_ =	shalt  }
0x86: {  	_ =	shalt  }
0x87: {  	_ =	shalt  }
.Lfunc_end0:
.L_simem_size_0:
called_computation_lowered:
.L_overlay_start_0:
0x88: {  	s2 =	sld [smem:$0x3FD9]  }
0x89: {  	s3 =	sld [smem:$0x3FFE];
	_ =	sdelay $0x1  }
0x8a: {  	s1 =	srdreg.scid  }
0x8b: {  	s0 =	sand.u32 $0x1, s1  }
0x8c: {  	s17 =	sshll.u32 s0, $0xA;
	s2 =	sadd.s32 s3, s2  }
0x8d: {  	s2 =	sadd.s32 s2, s17  }
0x8e: {  	[smem:$0x3FC6] =	sst s2  }
0x8f: {  	_ = 	snop  }
0x90: {  	s2 =	sld [smem:$0x3FD0];
	(tm) =	ssettm $0x1  }
0x91: {  	s18 =	sld [smem:$0x3FFB];
	_ =	sdelay $0x3  }
0x92: {  	_ =	strace s18  }
0x93: {  	s3 =	sld [smem:$0x3FFC];
	_ =	sdelay $0x3  }
0x94: {  	_ =	strace s3  }
0x95: {  	s3 =	sld [smem:$0x3FFD];
	_ =	sdelay $0x3  }
0x96: {  	_ =	strace s3  }
0x97: {  	_ =	strace $0x8FFFFFFF  }
0x98: {  	s19 =	sld [smem:$0x3FDB];
	_ =	sdelay $0x1  }
0x99: {  	s4 =	simm.s32 $_scs_section_size  }
0x9a: {  	s5 =	simm.s32 $_size__tile_overlayer_lowered;
	s6 =	simm.s32 $_tile_overlayer_lowered  }
0x9b: {  	s22 =	simm.s32 $0x1BFF;
	s21 =	sshll.u32 s6, $0x1;
	s3 =	sadd.s32 s4, s19  }
0x9c: {  	s7 =	simm.s32 $0x0;
	s20 =	sshll.u32 s5, $0x1;
	s5 =	sadd.s32 s21, s3  }
0x9d: {  	[timem:s7], [sflag:s22] =	dma.local [hbm:s5], s20  }
0x9e: {  	_ =	swait.ge [sflag:s22], s20  }
0x9f: {  	s4 =	ssub.s32 $0x0, s20;
	[sflag:s22] =	ssyncset.done $0x0  }
0xa0: {  	[sflag:s22] =	ssyncadd.s32 s4;
	_ =	sdelay $0x1  }
0xa1: {  	s23 =	simm.s32 $0x1B8B  }
0xa2: {  	_ =	swait.ge [sflag:s23], $0x1  }
0xa3: {  	[sflag:s23] =	ssyncset.done $0x0  }
0xa4: {  	s25 =	simm.s32 $0x1B8E;
	s24 =	sld [smem:$0x3FFE];
	[sflag:s23] =	ssyncadd.s32 $0xFFFFFFFF  }
0xa5: {  	s26 =	simm.s32 $execute0_lowered;
	[smem:$0x3FD2] =	sst s25  }
0xa6: {  	s5 =	sshll.u32 s26, $0x1;
	_ =	strace $0x80000046;
	[dreg:$0x1] =	wrdreg $0xFFFFFFFF  }
0xa7: {  	s28 =	simm.s32 $_size_execute0_lowered;
	s3 =	sadd.s32 s3, s5;
	[dreg:$0x0] =	wrdreg $0x0  }
0xa8: {  	s5 =	sshll.u32 s28, $0x1;
	[dreg:$0x2] =	wrdreg s3  }
0xa9: {  	[dreg:$0x3] =	wrdreg s5  }
0xaa: {  	[dreg:$0x4] =	wrdreg $0xC0  }
0xab: {  	_ =	task [dreg:s7], $0x5FFFF  }
0xac: {  	[dreg:$0x1] =	wrdreg $0xFFFFFFFF  }
0xad: {  	[dreg:$0x0] =	wrdreg $0x60  }
0xae: {  	[dreg:$0x2] =	wrdreg s24  }
0xaf: {  	[dreg:$0x3] =	wrdreg s2  }
0xb0: {  	[dreg:$0x4] =	wrdreg $0x9  }
0xb1: {  	_ =	task.clear_ibuf [dreg:s7], $0x5FFFF;
	_ =	strace $0x90000046  }
0xb2: {  	s29 =	simm.s32 $0x9;
	_ =	strace $0x80000048  }
0xb3: {  	_ =	swait.ge [sflag:s29], $0x1  }
0xb4: {  	[sflag:s29] =	ssyncadd.s32 $0xFFFFFFFF  }
0xb5: {  	_ =	strace $0x90000048  }
0xb6: {  	_ =	sfence  }
0xb7: {  	s30 =	sld [smem:$0x0];
	_ =	sdelay $0x2  }
0xb8: {  	s31 =	sshll.u32 s1, $0xD;
	s1 =	sshrl.u32 s1, $0x2  }
0xb9: {  	s3 =	sand.u32 $0x4000, s31;
	s1 =	sadd.s32 s1, s30  }
0xba: {  	s0 =	sor.u32 s3, s0;
	s1 =	sshll.u32 s1, $0x11  }
0xbb: {  	s0 =	sor.u32 s1, s0  }
0xbc: {  	s0 =	sadd.s32 $0x8F2B, s0  }
0xbd: {  	[sflag:s0] =	ssyncadd.remote.s32 $0x1  }
0xbe: {  	_ =	sfence.sel $0xFFFF  }
0xbf: {  	[dreg:$0x0] =	wrdreg $0xFFFFFFFF;
	(pc) =	sbr.abs _section_cstart, $3  }
0xc0: {  	[dreg:$0x1] =	wrdreg $0xFFFFFFFF  }
0xc1: {  	_ =	task.clear_ibuf [dreg:s7], $0x2FFFF;
	_ =	strace $0x9FFFFFFF  }
0xc2: {  	(tm) =	ssettm $0x7FFFFFFF  }
0xc3: {  	_ =	shalt  }
tec
execute0_lowered:
.L_overlay_start_1:
0x0: {  	(tag) =	ssettag $0x1  }
0x1: {  	s0 =	rddreg [dreg:$0x0]  }
0x2: {  	s1 =	rddreg [dreg:$0x1];
	s3 =	srdreg.scid  }
0x3: {  	s4 =	stileid.u32;
	s2 =	simm.s32 $0x0;
	s8 =	simm.s32 $0x2  }
0x4: {  	s10 =	simm.s32 $0x10080;
	s11 =	simm.s32 $0x10280;
	s12 =	simm.s32 $0x10480  }
0x5: {  	s13 =	simm.s32 $0x10;
	s14 =	simm.s32 $0x10580;
	s15 =	simm.s32 $0x1  }
0x6: {  	s17 =	simm.s32 $0x104A0;
	s18 =	simm.s32 $0x104B0;
	s19 =	simm.s32 $0x104C0  }
0x7: {  	s20 =	simm.s32 $0x104D0;
	s21 =	simm.s32 $0x104E0;
	s22 =	simm.s32 $0x104F0  }
0x8: {  	s23 =	simm.s32 $0x10500;
	s24 =	simm.s32 $0x10510;
	s25 =	simm.s32 $0x10520  }
0x9: {  	s28 =	simm.s32 $0x10540;
	s29 =	simm.s32 $0x10550;
	s30 =	simm.s32 $0x10560  }
0xa: {  	s3 =	sand.u32 $0x1, s3;
	s4 =	sshll.u32 s4, $0x1;
	[smem:$0x7FF] =	sst s2  }
0xb: {  	s31 =	simm.s32 $0x10570;
	s5 =	sor.u32 s3, s4;
	_ =	strace $0x80000047  }
0xc: {  	s7 =	ssub.s32 $0x2, s3;
	s3 =	sadd.s32 $0x600, s0;
	s4 =	sshll.u32 s5, $0xD  }
0xd: {  	s6 =	sshll.u32 s5, $0x8;
	s26 =	sshrl.u32 s7, $0x1;
	s5 =	sshll.u32 s5, $0x1  }
0xe: {  	s4 =	sadd.s32 s4, s0;
	s0 =	sadd.s32 s6, s0;
	s7 =	ssub.s32 s7, s26  }
0xf: {  	s5 =	sadd.s32 s1, s5;
	s26 =	simm.s32 $0x10530;
	s4 =	sadd.s32 $0x200600, s4  }
0x10: {  	v0 =	vimm.f32 $+Inf;
	v1 =	vlaneseq.u32;
	v2 =	vimm.s32 $0x0;
	s6 =	sadd.s32 $0x10800, s0;
	s7 =	smax.u32 s7, $0x1;
	s0 =	simm.s32 $0x0  }
.LBB2_1:
0x11: {  	[tilespmem:s2], [sflag:$0x2] =	stream.linear.gather [hbm4b:s4+s2], $0x10000, $0x38;
	[tilespmem:$0x10D80] =	vst v63  }
0x12: {  	_ =	swait.ge [sflag:s8], $0x10000  }
0x13: {  	[sflag:s8] =	ssyncset.done $0x0  }
0x14: {  	s1 =	simm.s32 $0x10000;
	[sflag:s8] =	ssyncadd.s32 $0xFFFF0000  }
0x15: {  	[tilespmem:s1], [sflag:$0x2] =	stream.linear.gather [hbm4b:s5+s2], $0x10, $0x38;
	[tilespmem:$0x10D80] =	vst v63  }
0x16: {  	_ =	swait.ge [sflag:s8], $0x10  }
0x17: {  	[sflag:s8] =	ssyncset.done $0x0  }
0x18: {  	[sflag:s8] =	ssyncadd.s32 $0xFFFFFFF0  }
0x19: {  	[tilespmem:$0x10080] =	vst v0  }
0x1a: {  	[tilespmem:$0x10090] =	vst v0  }
0x1b: {  	[tilespmem:$0x100A0] =	vst v0  }
0x1c: {  	[tilespmem:$0x100B0] =	vst v0  }
0x1d: {  	[tilespmem:$0x100C0] =	vst v0  }
0x1e: {  	[tilespmem:$0x100D0] =	vst v0  }
0x1f: {  	[tilespmem:$0x100E0] =	vst v0  }
0x20: {  	[tilespmem:$0x100F0] =	vst v0  }
0x21: {  	[tilespmem:$0x10100] =	vst v0  }
0x22: {  	[tilespmem:$0x10110] =	vst v0  }
0x23: {  	[tilespmem:$0x10120] =	vst v0  }
0x24: {  	[tilespmem:$0x10130] =	vst v0  }
0x25: {  	[tilespmem:$0x10140] =	vst v0  }
0x26: {  	[tilespmem:$0x10150] =	vst v0  }
0x27: {  	[tilespmem:$0x10160] =	vst v0  }
0x28: {  	[tilespmem:$0x10170] =	vst v0  }
0x29: {  	[tilespmem:$0x10180] =	vst v0  }
0x2a: {  	[tilespmem:$0x10190] =	vst v0  }
0x2b: {  	[tilespmem:$0x101A0] =	vst v0  }
0x2c: {  	[tilespmem:$0x101B0] =	vst v0  }
0x2d: {  	[tilespmem:$0x101C0] =	vst v0  }
0x2e: {  	[tilespmem:$0x101D0] =	vst v0  }
0x2f: {  	[tilespmem:$0x101E0] =	vst v0  }
0x30: {  	[tilespmem:$0x101F0] =	vst v0  }
0x31: {  	[tilespmem:$0x10200] =	vst v0  }
0x32: {  	[tilespmem:$0x10210] =	vst v0  }
0x33: {  	[tilespmem:$0x10220] =	vst v0  }
0x34: {  	[tilespmem:$0x10230] =	vst v0  }
0x35: {  	[tilespmem:$0x10240] =	vst v0  }
0x36: {  	v3 =	vadd.s32 s2, v1;
	[tilespmem:$0x10250] =	vst v0  }
0x37: {  	v3 =	vand.u32 $0x7, v3;
	[tilespmem:$0x10260] =	vst v0  }
0x38: {  	v3 =	vor.u32 $0x1000, v3;
	[tilespmem:$0x10270] =	vst v0  }
0x39: {  	s9 =	simm.s32 $0x10480;
	s1 =	simm.s32 $0x1;
	[tilespmem:s12+$0x0] =	vst v3  }
.LBB2_2:
0x3a: {  	p0 =	sne.s32 s1, $0xF  }
.Ltmp0:
0x3b: {  	_ = 	snop;
	(pc) =	sbr.rel @p0 .LBB2_2-.Ltmp0, $4  }
0x3c: {  	v3 =	vadd.s32 s1, v1  }
0x3d: {  	v3 =	vand.u32 $0x7, v3  }
0x3e: {  	s9 =	sadd.s32 $0x10, s9;
	v3 =	vor.u32 $0x1000, v3  }
0x3f: {  	s1 =	sadd.s32 $0x1, s1;
	[tilespmem:s9+$0x0] =	vst v3  }
0x40: {  	v3 =	vld [tilespmem:$0x10000]  }
0x41: {  	v4 =	vimm.s32 $0x0;
	s1 =	simm.s32 $0x7;
	s9 =	simm.s32 $0x40;
	v5 =	vimm.s32 $0x0  }
.LBB2_4:
0x42: {  	v6 =	vld [tilespmem:s9+$0xFFFFFFC0];
	_ =	sdelay $0x2  }
0x43: {  	vm0 =	vlt.s32 v5, $0x1F  }
0x44: {  	v7 =	vnsel vm0, $0x1F, v5  }
0x45: {  	v7 =	vshll.u32 v7, $0x4;
	vm13 =	vle.f32 v6, v3  }
0x46: {  	v7 =	vor.u32 v1, v7;
	_ =	sdelay $0x3  }
0x47: {  	s16 =	sadd.s32 $0xFFFFFFF9, s1  }
0x48: {  	[tilespmem:v7+s10+$0x0] =	vst.idx.msk vm13, v6;
	v6 =	vmov s16  }
0x49: {  	[tilespmem:v7+s11+$0x0] =	vst.idx.msk vm13, v6  }
0x4a: {  	v6 =	vld [tilespmem:s9+$0xFFFFFFD0]  }
0x4b: {  	v7 =	vsel vm13, $0x1, v2  }
0x4c: {  	v5 =	vadd.s32 v7, v5  }
0x4d: {  	vm14 =	vlt.s32 v5, $0x1F  }
0x4e: {  	v7 =	vnsel vm14, $0x1F, v5  }
0x4f: {  	v7 =	vshll.u32 v7, $0x4;
	vm15 =	vle.f32 v6, v3  }
0x50: {  	v7 =	vor.u32 v1, v7;
	_ =	sdelay $0x3  }
0x51: {  	s16 =	sadd.s32 $0xFFFFFFFA, s1  }
0x52: {  	[tilespmem:v7+s10+$0x0] =	vst.idx.msk vm15, v6;
	v6 =	vmov s16  }
0x53: {  	[tilespmem:v7+s11+$0x0] =	vst.idx.msk vm15, v6  }
0x54: {  	v6 =	vld [tilespmem:s9+$0xFFFFFFE0]  }
0x55: {  	v7 =	vsel vm15, $0x1, v2  }
0x56: {  	v5 =	vadd.s32 v7, v5  }
0x57: {  	vm4 =	vlt.s32 v5, $0x1F  }
0x58: {  	v7 =	vnsel vm4, $0x1F, v5  }
0x59: {  	v7 =	vshll.u32 v7, $0x4;
	vm5 =	vle.f32 v6, v3  }
0x5a: {  	v7 =	vor.u32 v1, v7;
	_ =	sdelay $0x3  }
0x5b: {  	s16 =	sadd.s32 $0xFFFFFFFB, s1  }
0x5c: {  	[tilespmem:v7+s10+$0x0] =	vst.idx.msk vm5, v6;
	v6 =	vmov s16  }
0x5d: {  	[tilespmem:v7+s11+$0x0] =	vst.idx.msk vm5, v6  }
0x5e: {  	v6 =	vld [tilespmem:s9+$0xFFFFFFF0]  }
0x5f: {  	v7 =	vsel vm5, $0x1, v2  }
0x60: {  	v5 =	vadd.s32 v7, v5  }
0x61: {  	vm6 =	vlt.s32 v5, $0x1F  }
0x62: {  	v7 =	vnsel vm6, $0x1F, v5  }
0x63: {  	v7 =	vshll.u32 v7, $0x4;
	vm7 =	vle.f32 v6, v3  }
0x64: {  	v7 =	vor.u32 v1, v7;
	_ =	sdelay $0x3  }
0x65: {  	s16 =	sadd.s32 $0xFFFFFFFC, s1  }
0x66: {  	[tilespmem:v7+s10+$0x0] =	vst.idx.msk vm7, v6;
	v6 =	vmov s16  }
0x67: {  	[tilespmem:v7+s11+$0x0] =	vst.idx.msk vm7, v6  }
0x68: {  	v6 =	vld [tilespmem:s9+$0x0]  }
0x69: {  	v7 =	vsel vm7, $0x1, v2  }
0x6a: {  	v5 =	vadd.s32 v7, v5  }
0x6b: {  	vm8 =	vlt.s32 v5, $0x1F  }
0x6c: {  	v7 =	vnsel vm8, $0x1F, v5  }
0x6d: {  	v7 =	vshll.u32 v7, $0x4;
	vm9 =	vle.f32 v6, v3  }
0x6e: {  	v7 =	vor.u32 v1, v7;
	_ =	sdelay $0x3  }
0x6f: {  	s16 =	sadd.s32 $0xFFFFFFFD, s1  }
0x70: {  	[tilespmem:v7+s10+$0x0] =	vst.idx.msk vm9, v6;
	v6 =	vmov s16  }
0x71: {  	[tilespmem:v7+s11+$0x0] =	vst.idx.msk vm9, v6  }
0x72: {  	v6 =	vld [tilespmem:s9+$0x10]  }
0x73: {  	v7 =	vsel vm9, $0x1, v2  }
0x74: {  	v5 =	vadd.s32 v7, v5  }
0x75: {  	vm10 =	vlt.s32 v5, $0x1F  }
0x76: {  	v7 =	vnsel vm10, $0x1F, v5  }
0x77: {  	v7 =	vshll.u32 v7, $0x4;
	vm11 =	vle.f32 v6, v3  }
0x78: {  	v7 =	vor.u32 v1, v7;
	_ =	sdelay $0x3  }
0x79: {  	s16 =	sadd.s32 $0xFFFFFFFE, s1  }
0x7a: {  	[tilespmem:v7+s10+$0x0] =	vst.idx.msk vm11, v6;
	v6 =	vmov s16  }
0x7b: {  	[tilespmem:v7+s11+$0x0] =	vst.idx.msk vm11, v6  }
0x7c: {  	v6 =	vld [tilespmem:s9+$0x20]  }
0x7d: {  	v7 =	vsel vm11, $0x1, v2  }
0x7e: {  	v5 =	vadd.s32 v7, v5  }
0x7f: {  	vm12 =	vlt.s32 v5, $0x1F  }
0x80: {  	v7 =	vnsel vm12, $0x1F, v5  }
0x81: {  	v7 =	vshll.u32 v7, $0x4;
	vm13 =	vle.f32 v6, v3  }
0x82: {  	v7 =	vor.u32 v1, v7;
	_ =	sdelay $0x3  }
0x83: {  	s16 =	sadd.s32 $0xFFFFFFFF, s1  }
0x84: {  	[tilespmem:v7+s10+$0x0] =	vst.idx.msk vm13, v6;
	v6 =	vmov s16  }
0x85: {  	[tilespmem:v7+s11+$0x0] =	vst.idx.msk vm13, v6  }
0x86: {  	v6 =	vld [tilespmem:s9+$0x30]  }
0x87: {  	v7 =	vsel vm13, $0x1, v2  }
0x88: {  	v5 =	vadd.s32 v7, v5  }
0x89: {  	vm14 =	vlt.s32 v5, $0x1F  }
0x8a: {  	v7 =	vnsel vm14, $0x1F, v5  }
0x8b: {  	v7 =	vshll.u32 v7, $0x4;
	vm15 =	vle.f32 v6, v3  }
0x8c: {  	v7 =	vor.u32 v1, v7  }
0x8d: {  	p0 =	sne.s32 s1, $0xFFF  }
.Ltmp1:
0x8e: {  	_ = 	snop;
	(pc) =	sbr.rel @p0 .LBB2_4-.Ltmp1, $3  }
0x8f: {  	_ =	sdelay $0x1  }
0x90: {  	v8 =	vsel vm15, $0x1, v2;
	[tilespmem:v7+s10+$0x0] =	vst.idx.msk vm15, v6;
	v6 =	vmov s1  }
0x91: {  	s9 =	sadd.s32 $0x80, s9;
	v5 =	vadd.s32 v8, v5;
	s1 =	sadd.s32 $0x8, s1;
	[tilespmem:v7+s11+$0x0] =	vst.idx.msk vm15, v6  }
0x92: {  	s9 =	simm.s32 $0x0  }
0x93: {  	v5 =	vld [tilespmem:s9+$0x10080]  }
0x94: {  	s1 =	simm.s32 $0x40  }
.LBB2_6:
0x95: {  	p0 =	sne.s32 s1, $0x7C0  }
.Ltmp2:
0x96: {  	_ = 	snop;
	(pc) =	sbr.rel @p0 .LBB2_6-.Ltmp2, $4  }
0x97: {  	_ = 	snop  }
0x98: {  	s9 =	sshra.s32 s1, $0x2;
	s1 =	sadd.s32 $0x40, s1;
	vm0 =	vlt.f32 v5, v3  }
0x99: {  	v5 =	vld [tilespmem:s9+$0x10080];
	v6 =	vsel vm0, $0x1, v2  }
0x9a: {  	v4 =	vadd.s32 v6, v4  }
0x9b: {  	_ = 	snop  }
0x9c: {  	s16 =	simm.s32 $0x0  }
0x9d: {  	v6 =	vld [tilespmem:s16+$0x10080]  }
0x9e: {  	vm0 =	vlt.f32 v5, v3  }
0x9f: {  	v5 =	vsel vm0, $0x1, v2  }
0xa0: {  	v4 =	vadd.s32 v5, v4  }
0xa1: {  	v7 =	vimm.s32 $0x0;
	v4 =	vsub.s32 $0xA, v4  }
0xa2: {  	vm0 =	veq.f32 v6, v3;
	vm1 =	vlt.s32 v7, v4  }
0xa3: {  	vm2 =	vlt.f32 v6, v3;
	v6 =	vshll.u32 v7, $0x4;
	vm1 =	vmand vm1, vm0  }
0xa4: {  	v9 =	vor.u32 v1, v6;
	vm1 =	vmor vm2, vm1  }
0xa5: {  	v8 =	vsel vm0, $0x1, v2;
	vm2 =	vlt.s32 v9, $0xFF;
	v5 =	vsel vm1, $0x1, v2  }
0xa6: {  	v9 =	vnsel vm2, $0xFF, v9;
	v5 =	vadd.s32 v5, v7;
	v7 =	vadd.s32 v8, v7;
	v8 =	vld [tilespmem:s16+$0x10280]  }
0xa7: {  	v6 =	vshll.u32 v5, $0x4  }
0xa8: {  	v6 =	vor.u32 v1, v6  }
0xa9: {  	s1 =	simm.s32 $0x40;
	s9 =	simm.s32 $0x80;
	vm0 =	vlt.s32 v6, $0xFF  }
.LBB2_8:
0xaa: {  	p0 =	sne.s32 s9, $0x7C0  }
0xab: {  	s16 =	sshra.s32 s1, $0x2;
	[tilespmem:v9+s12+$0x0] =	vst.idx.msk vm1, v8;
	s1 =	smov.u32 s9;
	s9 =	sadd.s32 $0x40, s9  }
0xac: {  	v8 =	vld [tilespmem:s16+$0x10080];
	_ =	sdelay $0x4  }
0xad: {  	vm2 =	vlt.s32 v7, v4;
	vm1 =	veq.f32 v8, v3  }
0xae: {  	vm3 =	vlt.f32 v8, v3;
	vm2 =	vmand vm2, vm1;
	v8 =	vsel vm1, $0x1, v2  }
0xaf: {  	vm1 =	vmor vm3, vm2;
	v7 =	vadd.s32 v8, v7  }
.Ltmp3:
0xb0: {  	v9 =	vnsel vm0, $0xFF, v6;
	v8 =	vld [tilespmem:s16+$0x10280];
	v6 =	vsel vm1, $0x1, v2;
	(pc) =	sbr.rel @p0 .LBB2_8-.Ltmp3, $4  }
0xb1: {  	v5 =	vadd.s32 v6, v5  }
0xb2: {  	v6 =	vshll.u32 v5, $0x4  }
0xb3: {  	v6 =	vor.u32 v1, v6  }
0xb4: {  	vm0 =	vlt.s32 v6, $0xFF  }
0xb5: {  	_ =	sdelay $0x4  }
0xb6: {  	s1 =	sshra.s32 s1, $0x2;
	[tilespmem:v9+s12+$0x0] =	vst.idx.msk vm1, v8  }
0xb7: {  	v5 =	vld [tilespmem:s1+$0x10080];
	_ =	sdelay $0x4  }
0xb8: {  	vm2 =	vlt.s32 v7, v4;
	vm15 =	veq.f32 v5, v3  }
0xb9: {  	vm3 =	vlt.f32 v5, v3;
	vm1 =	vmand vm2, vm15  }
0xba: {  	vm1 =	vmor vm3, vm1  }
0xbb: {  	v63 =	vnsel vm0, $0xFF, v6;
	v3 =	vld [tilespmem:s1+$0x10280];
	_ =	sdelay $0x4  }
0xbc: {  	[tilespmem:v63+s12+$0x0] =	vst.idx.msk vm1, v3  }
0xbd: {  	[tilespmem:s14], [sflag:$0x1] =	stream.indirect.gather [hbm4b:s3+s13], $0x80, s12, s13, $0xb8;
	[tilespmem:$0x10D80] =	vst v63  }
0xbe: {  	_ =	swait.ge [sflag:s15], $0x800  }
0xbf: {  	[sflag:s15] =	ssyncset.done $0x0  }
0xc0: {  	s16 =	simm.s32 $0x10490;
	[sflag:s15] =	ssyncadd.s32 $0xFFFFF800  }
0xc1: {  	[tilespmem:s14], [sflag:$0x1] =	stream.indirect.gather.add.f32 [hbm:s3], $0x80, s16, s13, $0xb8;
	[tilespmem:$0x10D80] =	vst v63  }
0xc2: {  	_ = 	snop  }
0xc3: {  	[tilespmem:s14], [sflag:$0x1] =	stream.indirect.gather.add.f32 [hbm:s3], $0x80, s17, s13, $0xb8;
	[tilespmem:$0x10D80] =	vst v63  }
0xc4: {  	_ = 	snop  }
0xc5: {  	[tilespmem:s14], [sflag:$0x1] =	stream.indirect.gather.add.f32 [hbm:s3], $0x80, s18, s13, $0xb8;
	[tilespmem:$0x10D80] =	vst v63  }
0xc6: {  	_ = 	snop  }
0xc7: {  	[tilespmem:s14], [sflag:$0x1] =	stream.indirect.gather.add.f32 [hbm:s3], $0x80, s19, s13, $0xb8;
	[tilespmem:$0x10D80] =	vst v63  }
0xc8: {  	_ = 	snop  }
0xc9: {  	[tilespmem:s14], [sflag:$0x1] =	stream.indirect.gather.add.f32 [hbm:s3], $0x80, s20, s13, $0xb8;
	[tilespmem:$0x10D80] =	vst v63  }
0xca: {  	_ = 	snop  }
0xcb: {  	[tilespmem:s14], [sflag:$0x1] =	stream.indirect.gather.add.f32 [hbm:s3], $0x80, s21, s13, $0xb8;
	[tilespmem:$0x10D80] =	vst v63  }
0xcc: {  	_ = 	snop  }
0xcd: {  	[tilespmem:s14], [sflag:$0x1] =	stream.indirect.gather.add.f32 [hbm:s3], $0x80, s22, s13, $0xb8;
	[tilespmem:$0x10D80] =	vst v63  }
0xce: {  	_ = 	snop  }
0xcf: {  	[tilespmem:s14], [sflag:$0x1] =	stream.indirect.gather.add.f32 [hbm:s3], $0x80, s23, s13, $0xb8;
	[tilespmem:$0x10D80] =	vst v63  }
0xd0: {  	_ = 	snop  }
0xd1: {  	[tilespmem:s14], [sflag:$0x1] =	stream.indirect.gather.add.f32 [hbm:s3], $0x80, s24, s13, $0xb8;
	[tilespmem:$0x10D80] =	vst v63  }
0xd2: {  	_ = 	snop  }
0xd3: {  	[tilespmem:s14], [sflag:$0x1] =	stream.indirect.gather.add.f32 [hbm:s3], $0x80, s25, s13, $0xb8;
	[tilespmem:$0x10D80] =	vst v63  }
0xd4: {  	_ = 	snop  }
0xd5: {  	[tilespmem:s14], [sflag:$0x1] =	stream.indirect.gather.add.f32 [hbm:s3], $0x80, s26, s13, $0xb8;
	[tilespmem:$0x10D80] =	vst v63  }
0xd6: {  	_ = 	snop  }
0xd7: {  	[tilespmem:s14], [sflag:$0x1] =	stream.indirect.gather.add.f32 [hbm:s3], $0x80, s28, s13, $0xb8;
	[tilespmem:$0x10D80] =	vst v63  }
0xd8: {  	_ = 	snop  }
0xd9: {  	[tilespmem:s14], [sflag:$0x1] =	stream.indirect.gather.add.f32 [hbm:s3], $0x80, s29, s13, $0xb8;
	[tilespmem:$0x10D80] =	vst v63  }
0xda: {  	_ = 	snop  }
0xdb: {  	[tilespmem:s14], [sflag:$0x1] =	stream.indirect.gather.add.f32 [hbm:s3], $0x80, s30, s13, $0xb8;
	[tilespmem:$0x10D80] =	vst v63  }
0xdc: {  	_ = 	snop  }
0xdd: {  	[tilespmem:s14], [sflag:$0x1] =	stream.indirect.gather.add.f32 [hbm:s3], $0x80, s31, s13, $0xb8;
	[tilespmem:$0x10D80] =	vst v63  }
0xde: {  	_ =	swait.ge [sflag:s15], $0x800  }
0xdf: {  	[sflag:s15] =	ssyncset.done $0x0  }
0xe0: {  	[sflag:s15] =	ssyncadd.s32 $0xFFFFF800  }
0xe1: {  	_ =	swait.ge [sflag:s15], $0x800  }
0xe2: {  	[sflag:s15] =	ssyncset.done $0x0  }
0xe3: {  	[sflag:s15] =	ssyncadd.s32 $0xFFFFF800  }
0xe4: {  	_ =	swait.ge [sflag:s15], $0x800  }
0xe5: {  	[sflag:s15] =	ssyncset.done $0x0  }
0xe6: {  	[sflag:s15] =	ssyncadd.s32 $0xFFFFF800  }
0xe7: {  	_ =	swait.ge [sflag:s15], $0x800  }
0xe8: {  	[sflag:s15] =	ssyncset.done $0x0  }
0xe9: {  	[sflag:s15] =	ssyncadd.s32 $0xFFFFF800  }
0xea: {  	_ =	swait.ge [sflag:s15], $0x800  }
0xeb: {  	[sflag:s15] =	ssyncset.done $0x0  }
0xec: {  	[sflag:s15] =	ssyncadd.s32 $0xFFFFF800  }
0xed: {  	_ =	swait.ge [sflag:s15], $0x800  }
0xee: {  	[sflag:s15] =	ssyncset.done $0x0  }
0xef: {  	[sflag:s15] =	ssyncadd.s32 $0xFFFFF800  }
0xf0: {  	_ =	swait.ge [sflag:s15], $0x800  }
0xf1: {  	[sflag:s15] =	ssyncset.done $0x0  }
0xf2: {  	[sflag:s15] =	ssyncadd.s32 $0xFFFFF800  }
0xf3: {  	_ =	swait.ge [sflag:s15], $0x800  }
0xf4: {  	[sflag:s15] =	ssyncset.done $0x0  }
0xf5: {  	[sflag:s15] =	ssyncadd.s32 $0xFFFFF800  }
0xf6: {  	_ =	swait.ge [sflag:s15], $0x800  }
0xf7: {  	[sflag:s15] =	ssyncset.done $0x0  }
0xf8: {  	[sflag:s15] =	ssyncadd.s32 $0xFFFFF800  }
0xf9: {  	_ =	swait.ge [sflag:s15], $0x800  }
0xfa: {  	[sflag:s15] =	ssyncset.done $0x0  }
0xfb: {  	[sflag:s15] =	ssyncadd.s32 $0xFFFFF800  }
0xfc: {  	_ =	swait.ge [sflag:s15], $0x800  }
0xfd: {  	[sflag:s15] =	ssyncset.done $0x0  }
0xfe: {  	[sflag:s15] =	ssyncadd.s32 $0xFFFFF800  }
0xff: {  	_ =	swait.ge [sflag:s15], $0x800  }
0x100: {  	[sflag:s15] =	ssyncset.done $0x0  }
0x101: {  	[sflag:s15] =	ssyncadd.s32 $0xFFFFF800  }
0x102: {  	_ =	swait.ge [sflag:s15], $0x800  }
0x103: {  	[sflag:s15] =	ssyncset.done $0x0  }
0x104: {  	[sflag:s15] =	ssyncadd.s32 $0xFFFFF800  }
0x105: {  	_ =	swait.ge [sflag:s15], $0x800  }
0x106: {  	[sflag:s15] =	ssyncset.done $0x0  }
0x107: {  	[sflag:s15] =	ssyncadd.s32 $0xFFFFF800  }
0x108: {  	s0 =	sadd.s32 $0x1, s0;
	_ =	swait.ge [sflag:s15], $0x800  }
0x109: {  	p0 =	sne.s32 s0, s7;
	[sflag:s15] =	ssyncset.done $0x0  }
.Ltmp4:
0x10a: {  	[sflag:s15] =	ssyncadd.s32 $0xFFFFF800;
	(pc) =	sbr.rel @p0 .LBB2_1-.Ltmp4, $4  }
0x10b: {  	[hbm4b:s6+s2] =	stream.linear.scatter [tilespmem:s14], [sflag:$0x2], $0x800, $0x38;
	[tilespmem:$0x10D80] =	vst v63  }
0x10c: {  	_ =	swait.ge [sflag:s8], $0x800  }
0x10d: {  	[sflag:s8] =	ssyncset.done $0x0  }
0x10e: {  	[sflag:s8] =	ssyncadd.s32 $0xFFFFF800  }
0x10f: {  	_ =	sfence.sel $0x180000  }
0x110: {  	[bflag:$0x0] =	sbarrier.arrive $0xFFFF  }
0x111: {  	_ =	strace $0x90000047  }
0x112: {  	s0 =	stileid.u32;
	[bflag:$0x2] =	sbarrier.arrive $0xFFFF  }
0x113: {  	p0 =	sne.s32 s0, $0x0;
	s0 =	rddreg [dreg:$0x2]  }
0x114: {  	s0 =	sadd.s32 @!p0 $0x100000, s0  }
0x115: {  	[sflag:s0] =	ssyncadd.tile.s32 @!p0 $0x1;
	_ =	shalt  }
.Lfunc_end2:
_tile_overlayer_lowered:
.L_overlay_start_2:
0x116: {  	(tag) =	ssettag $0x2  }
0x117: {  	s0 =	rddreg [dreg:$0x0];
	s2 =	stileid.u32  }
0x118: {  	s1 =	rddreg [dreg:$0x1];
	p0 =	sne.s32 s2, $0x0  }
0x119: {  	s3 =	rddreg [dreg:$0x2];
	[bflag:$0x3] =	sbarrier.arrive $0xFFFF;
	s2 =	simm.s32 @!p0 $0x1C02  }
0x11a: {  	[timem:s3], [sflag:s2] =	dma.local @!p0 [hbm:s0], s1  }
0x11b: {  	s0 =	simm.s32 @!p0 $0x2  }
0x11c: {  	_ =	swait.ge @!p0 [sflag:s0], s1  }
0x11d: {  	s1 =	ssub.s32 @!p0 $0x0, s1;
	[sflag:s0] =	ssyncset.done @!p0 $0x0  }
0x11e: {  	[sflag:s0] =	ssyncadd.s32 @!p0 s1  }
0x11f: {  	[bflag:$0x3] =	sbarrier.arrive $0xFFFF  }
0x120: {  	_ =	shalt  }

</sc_bundles>
